<compile_context>
chip_gen: v7x
topology: tpu7x:2x2x1
jax: 0.10.2.dev20260603
libtpu: 0.0.44.dev20260713+nightly
codegen_flags: <defaults>
</compile_context>

<pallas_src>
import functools

import jax
import jax.numpy as jnp
from jax import lax
from jax.experimental import pallas as pl
from jax.experimental.pallas import tpu as pltpu
from jax.experimental.pallas import tpu_sc as plsc

NC = 2
NS = 16
NW = NC * NS
CHUNK = 128
NBUF = 8
HALF = NBUF // 2


@functools.partial(jax.jit, static_argnums=(2, 3))
def _emb_lookup(weight, idx, n_chunks, d):
    mesh = plsc.VectorSubcoreMesh(core_axis_name="c", subcore_axis_name="s")
    b_total = NW * n_chunks * CHUNK

    @functools.partial(
        pl.kernel,
        mesh=mesh,
        out_type=jax.ShapeDtypeStruct((b_total, d), jnp.float32),
        compiler_params=pltpu.CompilerParams(use_tc_tiling_on_sc=False),
        scratch_types=[
            pltpu.VMEM((n_chunks, CHUNK), jnp.int32),
            pltpu.VMEM((NBUF, CHUNK, d), jnp.float32),
            pltpu.SemaphoreType.DMA((NBUF,)),
            pltpu.SemaphoreType.DMA((NBUF,)),
        ],
    )
    def body(table_hbm, idx_hbm, out_hbm, idx_v, rows_v, gsem, osem):
        wid = lax.axis_index("s") * NC + lax.axis_index("c")
        base = wid * (n_chunks * CHUNK)
        pltpu.sync_copy(idx_hbm.at[wid], idx_v)

        def gather_descr(chunk, buf):
            return pltpu.make_async_copy(
                table_hbm.at[idx_v.at[chunk]], rows_v.at[buf], gsem.at[buf]
            )

        def out_descr(chunk, buf):
            return pltpu.make_async_copy(
                rows_v.at[buf],
                out_hbm.at[pl.ds(base + chunk * CHUNK, CHUNK)],
                osem.at[buf],
            )

        for b in range(HALF):
            gather_descr(b, b).start()

        @pl.loop(0, n_chunks, step=NBUF)
        def _(g):
            for b in range(NBUF):
                j = g + b
                gather_descr(j, b).wait()
                out_descr(j, b).start()
                fs = (b + HALF) % NBUF
                fj = j + HALF

                @pl.when(fj < n_chunks)
                def _():
                    @pl.when(fj >= NBUF)
                    def _():
                        out_descr(fj - NBUF, fs).wait()

                    gather_descr(fj, fs).start()

        for b in range(NBUF):
            out_descr(n_chunks - NBUF + b, b).wait()

    return body(weight, idx)


def kernel(input, weight):
    s0, s1 = input.shape
    v, d = weight.shape
    b_total = s0 * s1
    n_chunks = b_total // (NW * CHUNK)
    idx = input.reshape(NW, n_chunks, CHUNK).astype(jnp.int32)
    out = _emb_lookup(weight, idx, n_chunks, d)
    return out.reshape(s0, s1, d)

# --- scband reference (transcript-rebuilt; emitter-appended) ---
"""Pipeline reference for scband-word-embedding-34720515620880 (READ-ONLY COPY).

The authoritative reference and input builder live on the scoring server;
editing this copy changes nothing except your own understanding.
"""

import jax, jax.numpy as jnp
import numpy as np

VOCAB = 1000000
EMB_DIM = 64
PAD_TOKEN = 0

def setup_inputs(seed: int = 0) -> dict:
    key = jax.random.key(seed)
    k1, k2 = jax.random.split(key)
    # nn.Embedding weight with normal1 init (std=0.02), PAD row zeroed
    weight = jax.random.normal(k1, (VOCAB, EMB_DIM), dtype=jnp.float32) * 0.02
    weight = weight.at[PAD_TOKEN].set(0.0)
    indices = jax.random.randint(k2, (4096, 200), 0, VOCAB, dtype=jnp.int64)
    return {"input": indices, "weight": weight}

def reference(input, weight):
    # embedding_dim == output_dim -> out_proj is Identity; no nonfrozen_emb path
    embedded = jnp.take(weight, input, axis=0)
    return embedded

if __name__ == "__main__":
    import jax
    _d = setup_inputs()
    print(jax.jit(kernel)(*tuple(_d.values())))

</pallas_src>

<mosaic_0001>
#map = affine_map<(d0, d1) -> (0, 0)>
#map1 = affine_map<(d0, d1) -> (0, 0, 0)>
module attributes {stable_mosaic.version = 14 : i64} {
  func.func @body(%arg0: i32, %arg1: i32, %arg2: memref<1000000x64xf32, #tpu.memory_space<hbm>>, %arg3: memref<32x200x128xi32, #tpu.memory_space<hbm>>, %arg4: memref<819200x64xf32, #tpu.memory_space<hbm>>, %arg5: memref<200x128xi32, #tpu.memory_space<vmem>>, %arg6: memref<8x128x64xf32, #tpu.memory_space<vmem>>, %arg7: memref<8x!tpu.dma_semaphore, #tpu.memory_space<semaphore_mem>>, %arg8: memref<8x!tpu.dma_semaphore, #tpu.memory_space<semaphore_mem>>) attributes {dimension_semantics = [#tpu.dimension_semantics<core_parallel>, #tpu.dimension_semantics<subcore_parallel>], iteration_bounds = array<i64: 2, 16>, scalar_prefetch = 0 : i64, scratch_operands = 4 : i64, tpu.core_type = #tpu.core_type<sc_vector_subcore>, window_params = [{transform_indices = #map}, {transform_indices = #map1}, {transform_indices = #map}]} {
    %mul3A = arith.constant 2 : i32
    %mul3A_0 = arith.muli %arg1, %mul3A : i32
    %add3A = arith.addi %mul3A_0, %arg0 : i32
    %mul3A_1 = arith.constant 25600 : i32
    %mul3A_2 = arith.muli %add3A, %mul3A_1 : i32
    "tpu.region"() ({
      %run_scoped3A = tpu.sem_alloc : memref<!tpu.dma_semaphore, #tpu.memory_space<semaphore_mem>>
      %dma_start3A_209 = arith.constant 0 : i32
      %dma_start3A_210 = arith.constant 0 : i32
      %dma_start3A_211 = tpu.memref_slice %arg3[%add3A, %dma_start3A_209, %dma_start3A_210] : memref<32x200x128xi32, #tpu.memory_space<hbm>> -> memref<1x200x128xi32, #tpu.memory_space<hbm>>
      %dma_start3A_212 = tpu.memref_squeeze %dma_start3A_211 : memref<1x200x128xi32, #tpu.memory_space<hbm>> -> memref<200x128xi32, #tpu.memory_space<hbm>>
      %dma_start3A_213 = arith.constant 0 : i32
      %dma_start3A_214 = arith.constant 0 : i32
      %dma_start3A_215 = tpu.memref_slice %arg3[%add3A, %dma_start3A_213, %dma_start3A_214] : memref<32x200x128xi32, #tpu.memory_space<hbm>> -> memref<1x200x128xi32, #tpu.memory_space<hbm>>
      %dma_start3A_216 = tpu.memref_squeeze %dma_start3A_215 : memref<1x200x128xi32, #tpu.memory_space<hbm>> -> memref<200x128xi32, #tpu.memory_space<hbm>>
      tpu.enqueue_dma source(%dma_start3A_216 : memref<200x128xi32, #tpu.memory_space<hbm>>) target(%arg5 : memref<200x128xi32, #tpu.memory_space<vmem>>) target_semaphore(%run_scoped3A : memref<!tpu.dma_semaphore, #tpu.memory_space<semaphore_mem>>)
      %dma_wait3A_217 = arith.constant 0 : i32
      %dma_wait3A_218 = arith.constant 0 : i32
      %dma_wait3A_219 = tpu.memref_slice %arg3[%add3A, %dma_wait3A_217, %dma_wait3A_218] : memref<32x200x128xi32, #tpu.memory_space<hbm>> -> memref<1x200x128xi32, #tpu.memory_space<hbm>>
      %dma_wait3A_220 = tpu.memref_squeeze %dma_wait3A_219 : memref<1x200x128xi32, #tpu.memory_space<hbm>> -> memref<200x128xi32, #tpu.memory_space<hbm>>
      %dma_wait3A_221 = arith.constant 0 : i32
      %dma_wait3A_222 = arith.constant 0 : i32
      %dma_wait3A_223 = tpu.memref_slice %arg3[%add3A, %dma_wait3A_221, %dma_wait3A_222] : memref<32x200x128xi32, #tpu.memory_space<hbm>> -> memref<1x200x128xi32, #tpu.memory_space<hbm>>
      %dma_wait3A_224 = tpu.memref_squeeze %dma_wait3A_223 : memref<1x200x128xi32, #tpu.memory_space<hbm>> -> memref<200x128xi32, #tpu.memory_space<hbm>>
      tpu.wait_dma2 semaphore(%run_scoped3A : memref<!tpu.dma_semaphore, #tpu.memory_space<semaphore_mem>>) src(%dma_wait3A_224 : memref<200x128xi32, #tpu.memory_space<hbm>>) dst(%arg5 : memref<200x128xi32, #tpu.memory_space<vmem>>)
      tpu.yield
    }) : () -> ()
    %dma_start3A = arith.constant 0 : i32
    %dma_start3A_3 = arith.constant 0 : i32
    %dma_start3A_4 = arith.constant 0 : i32
    %dma_start3A_5 = arith.constant 0 : i32
    %dma_start3A_6 = arith.constant 0 : i32
    %dma_start3A_7 = tpu.memref_slice %arg6[%dma_start3A_3, %dma_start3A_5, %dma_start3A_6] : memref<8x128x64xf32, #tpu.memory_space<vmem>> -> memref<1x128x64xf32, #tpu.memory_space<vmem>>
    %dma_start3A_8 = tpu.memref_squeeze %dma_start3A_7 : memref<1x128x64xf32, #tpu.memory_space<vmem>> -> memref<128x64xf32, #tpu.memory_space<vmem>>
    %dma_start3A_9 = arith.constant 0 : i32
    %dma_start3A_10 = tpu.memref_slice %arg5[%dma_start3A, %dma_start3A_9] : memref<200x128xi32, #tpu.memory_space<vmem>> -> memref<1x128xi32, #tpu.memory_space<vmem>>
    %dma_start3A_11 = tpu.memref_squeeze %dma_start3A_10 : memref<1x128xi32, #tpu.memory_space<vmem>> -> memref<128xi32, #tpu.memory_space<vmem>>
    %dma_start3A_12 = arith.constant 0 : i32
    %dma_start3A_13 = arith.constant 0 : i32
    %dma_start3A_14 = tpu.memref_slice %arg2[%dma_start3A_12, %dma_start3A_13] : memref<1000000x64xf32, #tpu.memory_space<hbm>> -> memref<1000000x64xf32, #tpu.memory_space<hbm>>
    %dma_start3A_15 = tpu.memref_slice %arg7[%dma_start3A_4] : memref<8x!tpu.dma_semaphore, #tpu.memory_space<semaphore_mem>> -> memref<1x!tpu.dma_semaphore, #tpu.memory_space<semaphore_mem>>
    %dma_start3A_16 = tpu.memref_squeeze %dma_start3A_15 : memref<1x!tpu.dma_semaphore, #tpu.memory_space<semaphore_mem>> -> memref<!tpu.dma_semaphore, #tpu.memory_space<semaphore_mem>>
    tpu.enqueue_indirect_dma source(%dma_start3A_14 : memref<1000000x64xf32, #tpu.memory_space<hbm>>) target(%dma_start3A_8 : memref<128x64xf32, #tpu.memory_space<vmem>>) offsets(%dma_start3A_11 : memref<128xi32, #tpu.memory_space<vmem>>) semaphore(%dma_start3A_16 : memref<!tpu.dma_semaphore, #tpu.memory_space<semaphore_mem>>)
    %dma_start3A_17 = arith.constant 1 : i32
    %dma_start3A_18 = arith.constant 1 : i32
    %dma_start3A_19 = arith.constant 1 : i32
    %dma_start3A_20 = arith.constant 0 : i32
    %dma_start3A_21 = arith.constant 0 : i32
    %dma_start3A_22 = tpu.memref_slice %arg6[%dma_start3A_18, %dma_start3A_20, %dma_start3A_21] : memref<8x128x64xf32, #tpu.memory_space<vmem>> -> memref<1x128x64xf32, #tpu.memory_space<vmem>>
    %dma_start3A_23 = tpu.memref_squeeze %dma_start3A_22 : memref<1x128x64xf32, #tpu.memory_space<vmem>> -> memref<128x64xf32, #tpu.memory_space<vmem>>
    %dma_start3A_24 = arith.constant 0 : i32
    %dma_start3A_25 = tpu.memref_slice %arg5[%dma_start3A_17, %dma_start3A_24] : memref<200x128xi32, #tpu.memory_space<vmem>> -> memref<1x128xi32, #tpu.memory_space<vmem>>
    %dma_start3A_26 = tpu.memref_squeeze %dma_start3A_25 : memref<1x128xi32, #tpu.memory_space<vmem>> -> memref<128xi32, #tpu.memory_space<vmem>>
    %dma_start3A_27 = arith.constant 0 : i32
    %dma_start3A_28 = arith.constant 0 : i32
    %dma_start3A_29 = tpu.memref_slice %arg2[%dma_start3A_27, %dma_start3A_28] : memref<1000000x64xf32, #tpu.memory_space<hbm>> -> memref<1000000x64xf32, #tpu.memory_space<hbm>>
    %dma_start3A_30 = tpu.memref_slice %arg7[%dma_start3A_19] : memref<8x!tpu.dma_semaphore, #tpu.memory_space<semaphore_mem>> -> memref<1x!tpu.dma_semaphore, #tpu.memory_space<semaphore_mem>>
    %dma_start3A_31 = tpu.memref_squeeze %dma_start3A_30 : memref<1x!tpu.dma_semaphore, #tpu.memory_space<semaphore_mem>> -> memref<!tpu.dma_semaphore, #tpu.memory_space<semaphore_mem>>
    tpu.enqueue_indirect_dma source(%dma_start3A_29 : memref<1000000x64xf32, #tpu.memory_space<hbm>>) target(%dma_start3A_23 : memref<128x64xf32, #tpu.memory_space<vmem>>) offsets(%dma_start3A_26 : memref<128xi32, #tpu.memory_space<vmem>>) semaphore(%dma_start3A_31 : memref<!tpu.dma_semaphore, #tpu.memory_space<semaphore_mem>>)
    %dma_start3A_32 = arith.constant 2 : i32
    %dma_start3A_33 = arith.constant 2 : i32
    %dma_start3A_34 = arith.constant 2 : i32
    %dma_start3A_35 = arith.constant 0 : i32
    %dma_start3A_36 = arith.constant 0 : i32
    %dma_start3A_37 = tpu.memref_slice %arg6[%dma_start3A_33, %dma_start3A_35, %dma_start3A_36] : memref<8x128x64xf32, #tpu.memory_space<vmem>> -> memref<1x128x64xf32, #tpu.memory_space<vmem>>
    %dma_start3A_38 = tpu.memref_squeeze %dma_start3A_37 : memref<1x128x64xf32, #tpu.memory_space<vmem>> -> memref<128x64xf32, #tpu.memory_space<vmem>>
    %dma_start3A_39 = arith.constant 0 : i32
    %dma_start3A_40 = tpu.memref_slice %arg5[%dma_start3A_32, %dma_start3A_39] : memref<200x128xi32, #tpu.memory_space<vmem>> -> memref<1x128xi32, #tpu.memory_space<vmem>>
    %dma_start3A_41 = tpu.memref_squeeze %dma_start3A_40 : memref<1x128xi32, #tpu.memory_space<vmem>> -> memref<128xi32, #tpu.memory_space<vmem>>
    %dma_start3A_42 = arith.constant 0 : i32
    %dma_start3A_43 = arith.constant 0 : i32
    %dma_start3A_44 = tpu.memref_slice %arg2[%dma_start3A_42, %dma_start3A_43] : memref<1000000x64xf32, #tpu.memory_space<hbm>> -> memref<1000000x64xf32, #tpu.memory_space<hbm>>
    %dma_start3A_45 = tpu.memref_slice %arg7[%dma_start3A_34] : memref<8x!tpu.dma_semaphore, #tpu.memory_space<semaphore_mem>> -> memref<1x!tpu.dma_semaphore, #tpu.memory_space<semaphore_mem>>
    %dma_start3A_46 = tpu.memref_squeeze %dma_start3A_45 : memref<1x!tpu.dma_semaphore, #tpu.memory_space<semaphore_mem>> -> memref<!tpu.dma_semaphore, #tpu.memory_space<semaphore_mem>>
    tpu.enqueue_indirect_dma source(%dma_start3A_44 : memref<1000000x64xf32, #tpu.memory_space<hbm>>) target(%dma_start3A_38 : memref<128x64xf32, #tpu.memory_space<vmem>>) offsets(%dma_start3A_41 : memref<128xi32, #tpu.memory_space<vmem>>) semaphore(%dma_start3A_46 : memref<!tpu.dma_semaphore, #tpu.memory_space<semaphore_mem>>)
    %dma_start3A_47 = arith.constant 3 : i32
    %dma_start3A_48 = arith.constant 3 : i32
    %dma_start3A_49 = arith.constant 3 : i32
    %dma_start3A_50 = arith.constant 0 : i32
    %dma_start3A_51 = arith.constant 0 : i32
    %dma_start3A_52 = tpu.memref_slice %arg6[%dma_start3A_48, %dma_start3A_50, %dma_start3A_51] : memref<8x128x64xf32, #tpu.memory_space<vmem>> -> memref<1x128x64xf32, #tpu.memory_space<vmem>>
    %dma_start3A_53 = tpu.memref_squeeze %dma_start3A_52 : memref<1x128x64xf32, #tpu.memory_space<vmem>> -> memref<128x64xf32, #tpu.memory_space<vmem>>
    %dma_start3A_54 = arith.constant 0 : i32
    %dma_start3A_55 = tpu.memref_slice %arg5[%dma_start3A_47, %dma_start3A_54] : memref<200x128xi32, #tpu.memory_space<vmem>> -> memref<1x128xi32, #tpu.memory_space<vmem>>
    %dma_start3A_56 = tpu.memref_squeeze %dma_start3A_55 : memref<1x128xi32, #tpu.memory_space<vmem>> -> memref<128xi32, #tpu.memory_space<vmem>>
    %dma_start3A_57 = arith.constant 0 : i32
    %dma_start3A_58 = arith.constant 0 : i32
    %dma_start3A_59 = tpu.memref_slice %arg2[%dma_start3A_57, %dma_start3A_58] : memref<1000000x64xf32, #tpu.memory_space<hbm>> -> memref<1000000x64xf32, #tpu.memory_space<hbm>>
    %dma_start3A_60 = tpu.memref_slice %arg7[%dma_start3A_49] : memref<8x!tpu.dma_semaphore, #tpu.memory_space<semaphore_mem>> -> memref<1x!tpu.dma_semaphore, #tpu.memory_space<semaphore_mem>>
    %dma_start3A_61 = tpu.memref_squeeze %dma_start3A_60 : memref<1x!tpu.dma_semaphore, #tpu.memory_space<semaphore_mem>> -> memref<!tpu.dma_semaphore, #tpu.memory_space<semaphore_mem>>
    tpu.enqueue_indirect_dma source(%dma_start3A_59 : memref<1000000x64xf32, #tpu.memory_space<hbm>>) target(%dma_start3A_53 : memref<128x64xf32, #tpu.memory_space<vmem>>) offsets(%dma_start3A_56 : memref<128xi32, #tpu.memory_space<vmem>>) semaphore(%dma_start3A_61 : memref<!tpu.dma_semaphore, #tpu.memory_space<semaphore_mem>>)
    %scan3A = arith.constant 0 : i32
    %scan3A_62 = arith.constant 25 : i32
    %scan3A_63 = arith.addi %scan3A, %scan3A_62 : i32
    %scan3A_64 = arith.constant 1 : i32
    scf.for %scan3A_209 = %scan3A to %scan3A_63 step %scan3A_64  : i32 {
      %mul3A_210 = arith.constant 8 : i32
      %mul3A_211 = arith.muli %scan3A_209, %mul3A_210 : i32
      %add3A_212 = arith.constant 0 : i32
      %add3A_213 = arith.addi %add3A_212, %mul3A_211 : i32
      %add3A_214 = arith.constant 0 : i32
      %add3A_215 = arith.addi %add3A_213, %add3A_214 : i32
      %dma_wait3A_216 = arith.constant 0 : i32
      %dma_wait3A_217 = arith.constant 0 : i32
      %dma_wait3A_218 = arith.constant 0 : i32
      %dma_wait3A_219 = arith.constant 0 : i32
      %dma_wait3A_220 = tpu.memref_slice %arg6[%dma_wait3A_216, %dma_wait3A_218, %dma_wait3A_219] : memref<8x128x64xf32, #tpu.memory_space<vmem>> -> memref<1x128x64xf32, #tpu.memory_space<vmem>>
      %dma_wait3A_221 = tpu.memref_squeeze %dma_wait3A_220 : memref<1x128x64xf32, #tpu.memory_space<vmem>> -> memref<128x64xf32, #tpu.memory_space<vmem>>
      %dma_wait3A_222 = arith.constant 0 : i32
      %dma_wait3A_223 = tpu.memref_slice %arg5[%add3A_215, %dma_wait3A_222] : memref<200x128xi32, #tpu.memory_space<vmem>> -> memref<1x128xi32, #tpu.memory_space<vmem>>
      %dma_wait3A_224 = tpu.memref_squeeze %dma_wait3A_223 : memref<1x128xi32, #tpu.memory_space<vmem>> -> memref<128xi32, #tpu.memory_space<vmem>>
      %dma_wait3A_225 = arith.constant 0 : i32
      %dma_wait3A_226 = arith.constant 0 : i32
      %dma_wait3A_227 = tpu.memref_slice %arg2[%dma_wait3A_225, %dma_wait3A_226] : memref<1000000x64xf32, #tpu.memory_space<hbm>> -> memref<1000000x64xf32, #tpu.memory_space<hbm>>
      %dma_wait3A_228 = tpu.memref_slice %arg7[%dma_wait3A_217] : memref<8x!tpu.dma_semaphore, #tpu.memory_space<semaphore_mem>> -> memref<1x!tpu.dma_semaphore, #tpu.memory_space<semaphore_mem>>
      %dma_wait3A_229 = tpu.memref_squeeze %dma_wait3A_228 : memref<1x!tpu.dma_semaphore, #tpu.memory_space<semaphore_mem>> -> memref<!tpu.dma_semaphore, #tpu.memory_space<semaphore_mem>>
      tpu.wait_indirect_dma semaphore(%dma_wait3A_229 : memref<!tpu.dma_semaphore, #tpu.memory_space<semaphore_mem>>) src(%dma_wait3A_227 : memref<1000000x64xf32, #tpu.memory_space<hbm>>) dst(%dma_wait3A_221 : memref<128x64xf32, #tpu.memory_space<vmem>>)
      %mul3A_230 = arith.constant 128 : i32
      %mul3A_231 = arith.muli %add3A_215, %mul3A_230 : i32
      %add3A_232 = arith.addi %mul3A_2, %mul3A_231 : i32
      %dma_start3A_233 = arith.constant 0 : i32
      %dma_start3A_234 = arith.constant 0 : i32
      %dma_start3A_235 = arith.constant 0 : i32
      %dma_start3A_236 = arith.constant 0 : i32
      %dma_start3A_237 = tpu.memref_slice %arg6[%dma_start3A_233, %dma_start3A_235, %dma_start3A_236] : memref<8x128x64xf32, #tpu.memory_space<vmem>> -> memref<1x128x64xf32, #tpu.memory_space<vmem>>
      %dma_start3A_238 = tpu.memref_squeeze %dma_start3A_237 : memref<1x128x64xf32, #tpu.memory_space<vmem>> -> memref<128x64xf32, #tpu.memory_space<vmem>>
      %dma_start3A_239 = arith.constant 0 : i32
      %dma_start3A_240 = tpu.memref_slice %arg4[%add3A_232, %dma_start3A_239] : memref<819200x64xf32, #tpu.memory_space<hbm>> -> memref<128x64xf32, #tpu.memory_space<hbm>>
      %dma_start3A_241 = tpu.memref_slice %arg8[%dma_start3A_234] : memref<8x!tpu.dma_semaphore, #tpu.memory_space<semaphore_mem>> -> memref<1x!tpu.dma_semaphore, #tpu.memory_space<semaphore_mem>>
      %dma_start3A_242 = tpu.memref_squeeze %dma_start3A_241 : memref<1x!tpu.dma_semaphore, #tpu.memory_space<semaphore_mem>> -> memref<!tpu.dma_semaphore, #tpu.memory_space<semaphore_mem>>
      %dma_start3A_243 = arith.constant 0 : i32
      %dma_start3A_244 = tpu.memref_slice %arg4[%add3A_232, %dma_start3A_243] : memref<819200x64xf32, #tpu.memory_space<hbm>> -> memref<128x64xf32, #tpu.memory_space<hbm>>
      %dma_start3A_245 = arith.constant 0 : i32
      %dma_start3A_246 = arith.constant 0 : i32
      %dma_start3A_247 = tpu.memref_slice %arg6[%dma_start3A_233, %dma_start3A_245, %dma_start3A_246] : memref<8x128x64xf32, #tpu.memory_space<vmem>> -> memref<1x128x64xf32, #tpu.memory_space<vmem>>
      %dma_start3A_248 = tpu.memref_squeeze %dma_start3A_247 : memref<1x128x64xf32, #tpu.memory_space<vmem>> -> memref<128x64xf32, #tpu.memory_space<vmem>>
      tpu.enqueue_dma source(%dma_start3A_248 : memref<128x64xf32, #tpu.memory_space<vmem>>) target(%dma_start3A_244 : memref<128x64xf32, #tpu.memory_space<hbm>>) target_semaphore(%dma_start3A_242 : memref<!tpu.dma_semaphore, #tpu.memory_space<semaphore_mem>>)
      %add3A_249 = arith.constant 4 : i32
      %add3A_250 = arith.addi %add3A_215, %add3A_249 : i32
      %lt3A = arith.constant 200 : i32
      %lt3A_251 = arith.cmpi slt, %add3A_250, %lt3A : i32
      %convert_element_type3A = arith.extui %lt3A_251 : i1 to i32
      %cond3A = arith.constant 0 : i32
      %cond3A_252 = arith.cmpi ne, %convert_element_type3A, %cond3A : i32
      scf.if %cond3A_252 {
        %ge3A = arith.constant 8 : i32
        %ge3A_547 = arith.cmpi sge, %add3A_250, %ge3A : i32
        %convert_element_type3A_548 = arith.extui %ge3A_547 : i1 to i32
        %cond3A_549 = arith.constant 0 : i32
        %cond3A_550 = arith.cmpi ne, %convert_element_type3A_548, %cond3A_549 : i32
        scf.if %cond3A_550 {
          %sub3A = arith.constant 8 : i32
          %sub3A_565 = arith.subi %add3A_250, %sub3A : i32
          %mul3A_566 = arith.constant 128 : i32
          %mul3A_567 = arith.muli %sub3A_565, %mul3A_566 : i32
          %add3A_568 = arith.addi %mul3A_2, %mul3A_567 : i32
          %dma_wait3A_569 = arith.constant 4 : i32
          %dma_wait3A_570 = arith.constant 4 : i32
          %dma_wait3A_571 = arith.constant 0 : i32
          %dma_wait3A_572 = arith.constant 0 : i32
          %dma_wait3A_573 = tpu.memref_slice %arg6[%dma_wait3A_569, %dma_wait3A_571, %dma_wait3A_572] : memref<8x128x64xf32, #tpu.memory_space<vmem>> -> memref<1x128x64xf32, #tpu.memory_space<vmem>>
          %dma_wait3A_574 = tpu.memref_squeeze %dma_wait3A_573 : memref<1x128x64xf32, #tpu.memory_space<vmem>> -> memref<128x64xf32, #tpu.memory_space<vmem>>
          %dma_wait3A_575 = arith.constant 0 : i32
          %dma_wait3A_576 = tpu.memref_slice %arg4[%add3A_568, %dma_wait3A_575] : memref<819200x64xf32, #tpu.memory_space<hbm>> -> memref<128x64xf32, #tpu.memory_space<hbm>>
          %dma_wait3A_577 = tpu.memref_slice %arg8[%dma_wait3A_570] : memref<8x!tpu.dma_semaphore, #tpu.memory_space<semaphore_mem>> -> memref<1x!tpu.dma_semaphore, #tpu.memory_space<semaphore_mem>>
          %dma_wait3A_578 = tpu.memref_squeeze %dma_wait3A_577 : memref<1x!tpu.dma_semaphore, #tpu.memory_space<semaphore_mem>> -> memref<!tpu.dma_semaphore, #tpu.memory_space<semaphore_mem>>
          %dma_wait3A_579 = arith.constant 0 : i32
          %dma_wait3A_580 = tpu.memref_slice %arg4[%add3A_568, %dma_wait3A_579] : memref<819200x64xf32, #tpu.memory_space<hbm>> -> memref<128x64xf32, #tpu.memory_space<hbm>>
          %dma_wait3A_581 = arith.constant 0 : i32
          %dma_wait3A_582 = arith.constant 0 : i32
          %dma_wait3A_583 = tpu.memref_slice %arg6[%dma_wait3A_569, %dma_wait3A_581, %dma_wait3A_582] : memref<8x128x64xf32, #tpu.memory_space<vmem>> -> memref<1x128x64xf32, #tpu.memory_space<vmem>>
          %dma_wait3A_584 = tpu.memref_squeeze %dma_wait3A_583 : memref<1x128x64xf32, #tpu.memory_space<vmem>> -> memref<128x64xf32, #tpu.memory_space<vmem>>
          tpu.wait_dma2 semaphore(%dma_wait3A_578 : memref<!tpu.dma_semaphore, #tpu.memory_space<semaphore_mem>>) src(%dma_wait3A_584 : memref<128x64xf32, #tpu.memory_space<vmem>>) dst(%dma_wait3A_580 : memref<128x64xf32, #tpu.memory_space<hbm>>)
        } else {
        }
        %dma_start3A_551 = arith.constant 4 : i32
        %dma_start3A_552 = arith.constant 4 : i32
        %dma_start3A_553 = arith.constant 0 : i32
        %dma_start3A_554 = arith.constant 0 : i32
        %dma_start3A_555 = tpu.memref_slice %arg6[%dma_start3A_551, %dma_start3A_553, %dma_start3A_554] : memref<8x128x64xf32, #tpu.memory_space<vmem>> -> memref<1x128x64xf32, #tpu.memory_space<vmem>>
        %dma_start3A_556 = tpu.memref_squeeze %dma_start3A_555 : memref<1x128x64xf32, #tpu.memory_space<vmem>> -> memref<128x64xf32, #tpu.memory_space<vmem>>
        %dma_start3A_557 = arith.constant 0 : i32
        %dma_start3A_558 = tpu.memref_slice %arg5[%add3A_250, %dma_start3A_557] : memref<200x128xi32, #tpu.memory_space<vmem>> -> memref<1x128xi32, #tpu.memory_space<vmem>>
        %dma_start3A_559 = tpu.memref_squeeze %dma_start3A_558 : memref<1x128xi32, #tpu.memory_space<vmem>> -> memref<128xi32, #tpu.memory_space<vmem>>
        %dma_start3A_560 = arith.constant 0 : i32
        %dma_start3A_561 = arith.constant 0 : i32
        %dma_start3A_562 = tpu.memref_slice %arg2[%dma_start3A_560, %dma_start3A_561] : memref<1000000x64xf32, #tpu.memory_space<hbm>> -> memref<1000000x64xf32, #tpu.memory_space<hbm>>
        %dma_start3A_563 = tpu.memref_slice %arg7[%dma_start3A_552] : memref<8x!tpu.dma_semaphore, #tpu.memory_space<semaphore_mem>> -> memref<1x!tpu.dma_semaphore, #tpu.memory_space<semaphore_mem>>
        %dma_start3A_564 = tpu.memref_squeeze %dma_start3A_563 : memref<1x!tpu.dma_semaphore, #tpu.memory_space<semaphore_mem>> -> memref<!tpu.dma_semaphore, #tpu.memory_space<semaphore_mem>>
        tpu.enqueue_indirect_dma source(%dma_start3A_562 : memref<1000000x64xf32, #tpu.memory_space<hbm>>) target(%dma_start3A_556 : memref<128x64xf32, #tpu.memory_space<vmem>>) offsets(%dma_start3A_559 : memref<128xi32, #tpu.memory_space<vmem>>) semaphore(%dma_start3A_564 : memref<!tpu.dma_semaphore, #tpu.memory_space<semaphore_mem>>)
      } else {
      }
      %add3A_253 = arith.constant 1 : i32
      %add3A_254 = arith.addi %add3A_213, %add3A_253 : i32
      %dma_wait3A_255 = arith.constant 1 : i32
      %dma_wait3A_256 = arith.constant 1 : i32
      %dma_wait3A_257 = arith.constant 0 : i32
      %dma_wait3A_258 = arith.constant 0 : i32
      %dma_wait3A_259 = tpu.memref_slice %arg6[%dma_wait3A_255, %dma_wait3A_257, %dma_wait3A_258] : memref<8x128x64xf32, #tpu.memory_space<vmem>> -> memref<1x128x64xf32, #tpu.memory_space<vmem>>
      %dma_wait3A_260 = tpu.memref_squeeze %dma_wait3A_259 : memref<1x128x64xf32, #tpu.memory_space<vmem>> -> memref<128x64xf32, #tpu.memory_space<vmem>>
      %dma_wait3A_261 = arith.constant 0 : i32
      %dma_wait3A_262 = tpu.memref_slice %arg5[%add3A_254, %dma_wait3A_261] : memref<200x128xi32, #tpu.memory_space<vmem>> -> memref<1x128xi32, #tpu.memory_space<vmem>>
      %dma_wait3A_263 = tpu.memref_squeeze %dma_wait3A_262 : memref<1x128xi32, #tpu.memory_space<vmem>> -> memref<128xi32, #tpu.memory_space<vmem>>
      %dma_wait3A_264 = arith.constant 0 : i32
      %dma_wait3A_265 = arith.constant 0 : i32
      %dma_wait3A_266 = tpu.memref_slice %arg2[%dma_wait3A_264, %dma_wait3A_265] : memref<1000000x64xf32, #tpu.memory_space<hbm>> -> memref<1000000x64xf32, #tpu.memory_space<hbm>>
      %dma_wait3A_267 = tpu.memref_slice %arg7[%dma_wait3A_256] : memref<8x!tpu.dma_semaphore, #tpu.memory_space<semaphore_mem>> -> memref<1x!tpu.dma_semaphore, #tpu.memory_space<semaphore_mem>>
      %dma_wait3A_268 = tpu.memref_squeeze %dma_wait3A_267 : memref<1x!tpu.dma_semaphore, #tpu.memory_space<semaphore_mem>> -> memref<!tpu.dma_semaphore, #tpu.memory_space<semaphore_mem>>
      tpu.wait_indirect_dma semaphore(%dma_wait3A_268 : memref<!tpu.dma_semaphore, #tpu.memory_space<semaphore_mem>>) src(%dma_wait3A_266 : memref<1000000x64xf32, #tpu.memory_space<hbm>>) dst(%dma_wait3A_260 : memref<128x64xf32, #tpu.memory_space<vmem>>)
      %mul3A_269 = arith.constant 128 : i32
      %mul3A_270 = arith.muli %add3A_254, %mul3A_269 : i32
      %add3A_271 = arith.addi %mul3A_2, %mul3A_270 : i32
      %dma_start3A_272 = arith.constant 1 : i32
      %dma_start3A_273 = arith.constant 1 : i32
      %dma_start3A_274 = arith.constant 0 : i32
      %dma_start3A_275 = arith.constant 0 : i32
      %dma_start3A_276 = tpu.memref_slice %arg6[%dma_start3A_272, %dma_start3A_274, %dma_start3A_275] : memref<8x128x64xf32, #tpu.memory_space<vmem>> -> memref<1x128x64xf32, #tpu.memory_space<vmem>>
      %dma_start3A_277 = tpu.memref_squeeze %dma_start3A_276 : memref<1x128x64xf32, #tpu.memory_space<vmem>> -> memref<128x64xf32, #tpu.memory_space<vmem>>
      %dma_start3A_278 = arith.constant 0 : i32
      %dma_start3A_279 = tpu.memref_slice %arg4[%add3A_271, %dma_start3A_278] : memref<819200x64xf32, #tpu.memory_space<hbm>> -> memref<128x64xf32, #tpu.memory_space<hbm>>
      %dma_start3A_280 = tpu.memref_slice %arg8[%dma_start3A_273] : memref<8x!tpu.dma_semaphore, #tpu.memory_space<semaphore_mem>> -> memref<1x!tpu.dma_semaphore, #tpu.memory_space<semaphore_mem>>
      %dma_start3A_281 = tpu.memref_squeeze %dma_start3A_280 : memref<1x!tpu.dma_semaphore, #tpu.memory_space<semaphore_mem>> -> memref<!tpu.dma_semaphore, #tpu.memory_space<semaphore_mem>>
      %dma_start3A_282 = arith.constant 0 : i32
      %dma_start3A_283 = tpu.memref_slice %arg4[%add3A_271, %dma_start3A_282] : memref<819200x64xf32, #tpu.memory_space<hbm>> -> memref<128x64xf32, #tpu.memory_space<hbm>>
      %dma_start3A_284 = arith.constant 0 : i32
      %dma_start3A_285 = arith.constant 0 : i32
      %dma_start3A_286 = tpu.memref_slice %arg6[%dma_start3A_272, %dma_start3A_284, %dma_start3A_285] : memref<8x128x64xf32, #tpu.memory_space<vmem>> -> memref<1x128x64xf32, #tpu.memory_space<vmem>>
      %dma_start3A_287 = tpu.memref_squeeze %dma_start3A_286 : memref<1x128x64xf32, #tpu.memory_space<vmem>> -> memref<128x64xf32, #tpu.memory_space<vmem>>
      tpu.enqueue_dma source(%dma_start3A_287 : memref<128x64xf32, #tpu.memory_space<vmem>>) target(%dma_start3A_283 : memref<128x64xf32, #tpu.memory_space<hbm>>) target_semaphore(%dma_start3A_281 : memref<!tpu.dma_semaphore, #tpu.memory_space<semaphore_mem>>)
      %add3A_288 = arith.constant 4 : i32
      %add3A_289 = arith.addi %add3A_254, %add3A_288 : i32
      %lt3A_290 = arith.constant 200 : i32
      %lt3A_291 = arith.cmpi slt, %add3A_289, %lt3A_290 : i32
      %convert_element_type3A_292 = arith.extui %lt3A_291 : i1 to i32
      %cond3A_293 = arith.constant 0 : i32
      %cond3A_294 = arith.cmpi ne, %convert_element_type3A_292, %cond3A_293 : i32
      scf.if %cond3A_294 {
        %ge3A = arith.constant 8 : i32
        %ge3A_547 = arith.cmpi sge, %add3A_289, %ge3A : i32
        %convert_element_type3A_548 = arith.extui %ge3A_547 : i1 to i32
        %cond3A_549 = arith.constant 0 : i32
        %cond3A_550 = arith.cmpi ne, %convert_element_type3A_548, %cond3A_549 : i32
        scf.if %cond3A_550 {
          %sub3A = arith.constant 8 : i32
          %sub3A_565 = arith.subi %add3A_289, %sub3A : i32
          %mul3A_566 = arith.constant 128 : i32
          %mul3A_567 = arith.muli %sub3A_565, %mul3A_566 : i32
          %add3A_568 = arith.addi %mul3A_2, %mul3A_567 : i32
          %dma_wait3A_569 = arith.constant 5 : i32
          %dma_wait3A_570 = arith.constant 5 : i32
          %dma_wait3A_571 = arith.constant 0 : i32
          %dma_wait3A_572 = arith.constant 0 : i32
          %dma_wait3A_573 = tpu.memref_slice %arg6[%dma_wait3A_569, %dma_wait3A_571, %dma_wait3A_572] : memref<8x128x64xf32, #tpu.memory_space<vmem>> -> memref<1x128x64xf32, #tpu.memory_space<vmem>>
          %dma_wait3A_574 = tpu.memref_squeeze %dma_wait3A_573 : memref<1x128x64xf32, #tpu.memory_space<vmem>> -> memref<128x64xf32, #tpu.memory_space<vmem>>
          %dma_wait3A_575 = arith.constant 0 : i32
          %dma_wait3A_576 = tpu.memref_slice %arg4[%add3A_568, %dma_wait3A_575] : memref<819200x64xf32, #tpu.memory_space<hbm>> -> memref<128x64xf32, #tpu.memory_space<hbm>>
          %dma_wait3A_577 = tpu.memref_slice %arg8[%dma_wait3A_570] : memref<8x!tpu.dma_semaphore, #tpu.memory_space<semaphore_mem>> -> memref<1x!tpu.dma_semaphore, #tpu.memory_space<semaphore_mem>>
          %dma_wait3A_578 = tpu.memref_squeeze %dma_wait3A_577 : memref<1x!tpu.dma_semaphore, #tpu.memory_space<semaphore_mem>> -> memref<!tpu.dma_semaphore, #tpu.memory_space<semaphore_mem>>
          %dma_wait3A_579 = arith.constant 0 : i32
          %dma_wait3A_580 = tpu.memref_slice %arg4[%add3A_568, %dma_wait3A_579] : memref<819200x64xf32, #tpu.memory_space<hbm>> -> memref<128x64xf32, #tpu.memory_space<hbm>>
          %dma_wait3A_581 = arith.constant 0 : i32
          %dma_wait3A_582 = arith.constant 0 : i32
          %dma_wait3A_583 = tpu.memref_slice %arg6[%dma_wait3A_569, %dma_wait3A_581, %dma_wait3A_582] : memref<8x128x64xf32, #tpu.memory_space<vmem>> -> memref<1x128x64xf32, #tpu.memory_space<vmem>>
          %dma_wait3A_584 = tpu.memref_squeeze %dma_wait3A_583 : memref<1x128x64xf32, #tpu.memory_space<vmem>> -> memref<128x64xf32, #tpu.memory_space<vmem>>
          tpu.wait_dma2 semaphore(%dma_wait3A_578 : memref<!tpu.dma_semaphore, #tpu.memory_space<semaphore_mem>>) src(%dma_wait3A_584 : memref<128x64xf32, #tpu.memory_space<vmem>>) dst(%dma_wait3A_580 : memref<128x64xf32, #tpu.memory_space<hbm>>)
        } else {
        }
        %dma_start3A_551 = arith.constant 5 : i32
        %dma_start3A_552 = arith.constant 5 : i32
        %dma_start3A_553 = arith.constant 0 : i32
        %dma_start3A_554 = arith.constant 0 : i32
        %dma_start3A_555 = tpu.memref_slice %arg6[%dma_start3A_551, %dma_start3A_553, %dma_start3A_554] : memref<8x128x64xf32, #tpu.memory_space<vmem>> -> memref<1x128x64xf32, #tpu.memory_space<vmem>>
        %dma_start3A_556 = tpu.memref_squeeze %dma_start3A_555 : memref<1x128x64xf32, #tpu.memory_space<vmem>> -> memref<128x64xf32, #tpu.memory_space<vmem>>
        %dma_start3A_557 = arith.constant 0 : i32
        %dma_start3A_558 = tpu.memref_slice %arg5[%add3A_289, %dma_start3A_557] : memref<200x128xi32, #tpu.memory_space<vmem>> -> memref<1x128xi32, #tpu.memory_space<vmem>>
        %dma_start3A_559 = tpu.memref_squeeze %dma_start3A_558 : memref<1x128xi32, #tpu.memory_space<vmem>> -> memref<128xi32, #tpu.memory_space<vmem>>
        %dma_start3A_560 = arith.constant 0 : i32
        %dma_start3A_561 = arith.constant 0 : i32
        %dma_start3A_562 = tpu.memref_slice %arg2[%dma_start3A_560, %dma_start3A_561] : memref<1000000x64xf32, #tpu.memory_space<hbm>> -> memref<1000000x64xf32, #tpu.memory_space<hbm>>
        %dma_start3A_563 = tpu.memref_slice %arg7[%dma_start3A_552] : memref<8x!tpu.dma_semaphore, #tpu.memory_space<semaphore_mem>> -> memref<1x!tpu.dma_semaphore, #tpu.memory_space<semaphore_mem>>
        %dma_start3A_564 = tpu.memref_squeeze %dma_start3A_563 : memref<1x!tpu.dma_semaphore, #tpu.memory_space<semaphore_mem>> -> memref<!tpu.dma_semaphore, #tpu.memory_space<semaphore_mem>>
        tpu.enqueue_indirect_dma source(%dma_start3A_562 : memref<1000000x64xf32, #tpu.memory_space<hbm>>) target(%dma_start3A_556 : memref<128x64xf32, #tpu.memory_space<vmem>>) offsets(%dma_start3A_559 : memref<128xi32, #tpu.memory_space<vmem>>) semaphore(%dma_start3A_564 : memref<!tpu.dma_semaphore, #tpu.memory_space<semaphore_mem>>)
      } else {
      }
      %add3A_295 = arith.constant 2 : i32
      %add3A_296 = arith.addi %add3A_213, %add3A_295 : i32
      %dma_wait3A_297 = arith.constant 2 : i32
      %dma_wait3A_298 = arith.constant 2 : i32
      %dma_wait3A_299 = arith.constant 0 : i32
      %dma_wait3A_300 = arith.constant 0 : i32
      %dma_wait3A_301 = tpu.memref_slice %arg6[%dma_wait3A_297, %dma_wait3A_299, %dma_wait3A_300] : memref<8x128x64xf32, #tpu.memory_space<vmem>> -> memref<1x128x64xf32, #tpu.memory_space<vmem>>
      %dma_wait3A_302 = tpu.memref_squeeze %dma_wait3A_301 : memref<1x128x64xf32, #tpu.memory_space<vmem>> -> memref<128x64xf32, #tpu.memory_space<vmem>>
      %dma_wait3A_303 = arith.constant 0 : i32
      %dma_wait3A_304 = tpu.memref_slice %arg5[%add3A_296, %dma_wait3A_303] : memref<200x128xi32, #tpu.memory_space<vmem>> -> memref<1x128xi32, #tpu.memory_space<vmem>>
      %dma_wait3A_305 = tpu.memref_squeeze %dma_wait3A_304 : memref<1x128xi32, #tpu.memory_space<vmem>> -> memref<128xi32, #tpu.memory_space<vmem>>
      %dma_wait3A_306 = arith.constant 0 : i32
      %dma_wait3A_307 = arith.constant 0 : i32
      %dma_wait3A_308 = tpu.memref_slice %arg2[%dma_wait3A_306, %dma_wait3A_307] : memref<1000000x64xf32, #tpu.memory_space<hbm>> -> memref<1000000x64xf32, #tpu.memory_space<hbm>>
      %dma_wait3A_309 = tpu.memref_slice %arg7[%dma_wait3A_298] : memref<8x!tpu.dma_semaphore, #tpu.memory_space<semaphore_mem>> -> memref<1x!tpu.dma_semaphore, #tpu.memory_space<semaphore_mem>>
      %dma_wait3A_310 = tpu.memref_squeeze %dma_wait3A_309 : memref<1x!tpu.dma_semaphore, #tpu.memory_space<semaphore_mem>> -> memref<!tpu.dma_semaphore, #tpu.memory_space<semaphore_mem>>
      tpu.wait_indirect_dma semaphore(%dma_wait3A_310 : memref<!tpu.dma_semaphore, #tpu.memory_space<semaphore_mem>>) src(%dma_wait3A_308 : memref<1000000x64xf32, #tpu.memory_space<hbm>>) dst(%dma_wait3A_302 : memref<128x64xf32, #tpu.memory_space<vmem>>)
      %mul3A_311 = arith.constant 128 : i32
      %mul3A_312 = arith.muli %add3A_296, %mul3A_311 : i32
      %add3A_313 = arith.addi %mul3A_2, %mul3A_312 : i32
      %dma_start3A_314 = arith.constant 2 : i32
      %dma_start3A_315 = arith.constant 2 : i32
      %dma_start3A_316 = arith.constant 0 : i32
      %dma_start3A_317 = arith.constant 0 : i32
      %dma_start3A_318 = tpu.memref_slice %arg6[%dma_start3A_314, %dma_start3A_316, %dma_start3A_317] : memref<8x128x64xf32, #tpu.memory_space<vmem>> -> memref<1x128x64xf32, #tpu.memory_space<vmem>>
      %dma_start3A_319 = tpu.memref_squeeze %dma_start3A_318 : memref<1x128x64xf32, #tpu.memory_space<vmem>> -> memref<128x64xf32, #tpu.memory_space<vmem>>
      %dma_start3A_320 = arith.constant 0 : i32
      %dma_start3A_321 = tpu.memref_slice %arg4[%add3A_313, %dma_start3A_320] : memref<819200x64xf32, #tpu.memory_space<hbm>> -> memref<128x64xf32, #tpu.memory_space<hbm>>
      %dma_start3A_322 = tpu.memref_slice %arg8[%dma_start3A_315] : memref<8x!tpu.dma_semaphore, #tpu.memory_space<semaphore_mem>> -> memref<1x!tpu.dma_semaphore, #tpu.memory_space<semaphore_mem>>
      %dma_start3A_323 = tpu.memref_squeeze %dma_start3A_322 : memref<1x!tpu.dma_semaphore, #tpu.memory_space<semaphore_mem>> -> memref<!tpu.dma_semaphore, #tpu.memory_space<semaphore_mem>>
      %dma_start3A_324 = arith.constant 0 : i32
      %dma_start3A_325 = tpu.memref_slice %arg4[%add3A_313, %dma_start3A_324] : memref<819200x64xf32, #tpu.memory_space<hbm>> -> memref<128x64xf32, #tpu.memory_space<hbm>>
      %dma_start3A_326 = arith.constant 0 : i32
      %dma_start3A_327 = arith.constant 0 : i32
      %dma_start3A_328 = tpu.memref_slice %arg6[%dma_start3A_314, %dma_start3A_326, %dma_start3A_327] : memref<8x128x64xf32, #tpu.memory_space<vmem>> -> memref<1x128x64xf32, #tpu.memory_space<vmem>>
      %dma_start3A_329 = tpu.memref_squeeze %dma_start3A_328 : memref<1x128x64xf32, #tpu.memory_space<vmem>> -> memref<128x64xf32, #tpu.memory_space<vmem>>
      tpu.enqueue_dma source(%dma_start3A_329 : memref<128x64xf32, #tpu.memory_space<vmem>>) target(%dma_start3A_325 : memref<128x64xf32, #tpu.memory_space<hbm>>) target_semaphore(%dma_start3A_323 : memref<!tpu.dma_semaphore, #tpu.memory_space<semaphore_mem>>)
      %add3A_330 = arith.constant 4 : i32
      %add3A_331 = arith.addi %add3A_296, %add3A_330 : i32
      %lt3A_332 = arith.constant 200 : i32
      %lt3A_333 = arith.cmpi slt, %add3A_331, %lt3A_332 : i32
      %convert_element_type3A_334 = arith.extui %lt3A_333 : i1 to i32
      %cond3A_335 = arith.constant 0 : i32
      %cond3A_336 = arith.cmpi ne, %convert_element_type3A_334, %cond3A_335 : i32
      scf.if %cond3A_336 {
        %ge3A = arith.constant 8 : i32
        %ge3A_547 = arith.cmpi sge, %add3A_331, %ge3A : i32
        %convert_element_type3A_548 = arith.extui %ge3A_547 : i1 to i32
        %cond3A_549 = arith.constant 0 : i32
        %cond3A_550 = arith.cmpi ne, %convert_element_type3A_548, %cond3A_549 : i32
        scf.if %cond3A_550 {
          %sub3A = arith.constant 8 : i32
          %sub3A_565 = arith.subi %add3A_331, %sub3A : i32
          %mul3A_566 = arith.constant 128 : i32
          %mul3A_567 = arith.muli %sub3A_565, %mul3A_566 : i32
          %add3A_568 = arith.addi %mul3A_2, %mul3A_567 : i32
          %dma_wait3A_569 = arith.constant 6 : i32
          %dma_wait3A_570 = arith.constant 6 : i32
          %dma_wait3A_571 = arith.constant 0 : i32
          %dma_wait3A_572 = arith.constant 0 : i32
          %dma_wait3A_573 = tpu.memref_slice %arg6[%dma_wait3A_569, %dma_wait3A_571, %dma_wait3A_572] : memref<8x128x64xf32, #tpu.memory_space<vmem>> -> memref<1x128x64xf32, #tpu.memory_space<vmem>>
          %dma_wait3A_574 = tpu.memref_squeeze %dma_wait3A_573 : memref<1x128x64xf32, #tpu.memory_space<vmem>> -> memref<128x64xf32, #tpu.memory_space<vmem>>
          %dma_wait3A_575 = arith.constant 0 : i32
          %dma_wait3A_576 = tpu.memref_slice %arg4[%add3A_568, %dma_wait3A_575] : memref<819200x64xf32, #tpu.memory_space<hbm>> -> memref<128x64xf32, #tpu.memory_space<hbm>>
          %dma_wait3A_577 = tpu.memref_slice %arg8[%dma_wait3A_570] : memref<8x!tpu.dma_semaphore, #tpu.memory_space<semaphore_mem>> -> memref<1x!tpu.dma_semaphore, #tpu.memory_space<semaphore_mem>>
          %dma_wait3A_578 = tpu.memref_squeeze %dma_wait3A_577 : memref<1x!tpu.dma_semaphore, #tpu.memory_space<semaphore_mem>> -> memref<!tpu.dma_semaphore, #tpu.memory_space<semaphore_mem>>
          %dma_wait3A_579 = arith.constant 0 : i32
          %dma_wait3A_580 = tpu.memref_slice %arg4[%add3A_568, %dma_wait3A_579] : memref<819200x64xf32, #tpu.memory_space<hbm>> -> memref<128x64xf32, #tpu.memory_space<hbm>>
          %dma_wait3A_581 = arith.constant 0 : i32
          %dma_wait3A_582 = arith.constant 0 : i32
          %dma_wait3A_583 = tpu.memref_slice %arg6[%dma_wait3A_569, %dma_wait3A_581, %dma_wait3A_582] : memref<8x128x64xf32, #tpu.memory_space<vmem>> -> memref<1x128x64xf32, #tpu.memory_space<vmem>>
          %dma_wait3A_584 = tpu.memref_squeeze %dma_wait3A_583 : memref<1x128x64xf32, #tpu.memory_space<vmem>> -> memref<128x64xf32, #tpu.memory_space<vmem>>
          tpu.wait_dma2 semaphore(%dma_wait3A_578 : memref<!tpu.dma_semaphore, #tpu.memory_space<semaphore_mem>>) src(%dma_wait3A_584 : memref<128x64xf32, #tpu.memory_space<vmem>>) dst(%dma_wait3A_580 : memref<128x64xf32, #tpu.memory_space<hbm>>)
        } else {
        }
        %dma_start3A_551 = arith.constant 6 : i32
        %dma_start3A_552 = arith.constant 6 : i32
        %dma_start3A_553 = arith.constant 0 : i32
        %dma_start3A_554 = arith.constant 0 : i32
        %dma_start3A_555 = tpu.memref_slice %arg6[%dma_start3A_551, %dma_start3A_553, %dma_start3A_554] : memref<8x128x64xf32, #tpu.memory_space<vmem>> -> memref<1x128x64xf32, #tpu.memory_space<vmem>>
        %dma_start3A_556 = tpu.memref_squeeze %dma_start3A_555 : memref<1x128x64xf32, #tpu.memory_space<vmem>> -> memref<128x64xf32, #tpu.memory_space<vmem>>
        %dma_start3A_557 = arith.constant 0 : i32
        %dma_start3A_558 = tpu.memref_slice %arg5[%add3A_331, %dma_start3A_557] : memref<200x128xi32, #tpu.memory_space<vmem>> -> memref<1x128xi32, #tpu.memory_space<vmem>>
        %dma_start3A_559 = tpu.memref_squeeze %dma_start3A_558 : memref<1x128xi32, #tpu.memory_space<vmem>> -> memref<128xi32, #tpu.memory_space<vmem>>
        %dma_start3A_560 = arith.constant 0 : i32
        %dma_start3A_561 = arith.constant 0 : i32
        %dma_start3A_562 = tpu.memref_slice %arg2[%dma_start3A_560, %dma_start3A_561] : memref<1000000x64xf32, #tpu.memory_space<hbm>> -> memref<1000000x64xf32, #tpu.memory_space<hbm>>
        %dma_start3A_563 = tpu.memref_slice %arg7[%dma_start3A_552] : memref<8x!tpu.dma_semaphore, #tpu.memory_space<semaphore_mem>> -> memref<1x!tpu.dma_semaphore, #tpu.memory_space<semaphore_mem>>
        %dma_start3A_564 = tpu.memref_squeeze %dma_start3A_563 : memref<1x!tpu.dma_semaphore, #tpu.memory_space<semaphore_mem>> -> memref<!tpu.dma_semaphore, #tpu.memory_space<semaphore_mem>>
        tpu.enqueue_indirect_dma source(%dma_start3A_562 : memref<1000000x64xf32, #tpu.memory_space<hbm>>) target(%dma_start3A_556 : memref<128x64xf32, #tpu.memory_space<vmem>>) offsets(%dma_start3A_559 : memref<128xi32, #tpu.memory_space<vmem>>) semaphore(%dma_start3A_564 : memref<!tpu.dma_semaphore, #tpu.memory_space<semaphore_mem>>)
      } else {
      }
      %add3A_337 = arith.constant 3 : i32
      %add3A_338 = arith.addi %add3A_213, %add3A_337 : i32
      %dma_wait3A_339 = arith.constant 3 : i32
      %dma_wait3A_340 = arith.constant 3 : i32
      %dma_wait3A_341 = arith.constant 0 : i32
      %dma_wait3A_342 = arith.constant 0 : i32
      %dma_wait3A_343 = tpu.memref_slice %arg6[%dma_wait3A_339, %dma_wait3A_341, %dma_wait3A_342] : memref<8x128x64xf32, #tpu.memory_space<vmem>> -> memref<1x128x64xf32, #tpu.memory_space<vmem>>
      %dma_wait3A_344 = tpu.memref_squeeze %dma_wait3A_343 : memref<1x128x64xf32, #tpu.memory_space<vmem>> -> memref<128x64xf32, #tpu.memory_space<vmem>>
      %dma_wait3A_345 = arith.constant 0 : i32
      %dma_wait3A_346 = tpu.memref_slice %arg5[%add3A_338, %dma_wait3A_345] : memref<200x128xi32, #tpu.memory_space<vmem>> -> memref<1x128xi32, #tpu.memory_space<vmem>>
      %dma_wait3A_347 = tpu.memref_squeeze %dma_wait3A_346 : memref<1x128xi32, #tpu.memory_space<vmem>> -> memref<128xi32, #tpu.memory_space<vmem>>
      %dma_wait3A_348 = arith.constant 0 : i32
      %dma_wait3A_349 = arith.constant 0 : i32
      %dma_wait3A_350 = tpu.memref_slice %arg2[%dma_wait3A_348, %dma_wait3A_349] : memref<1000000x64xf32, #tpu.memory_space<hbm>> -> memref<1000000x64xf32, #tpu.memory_space<hbm>>
      %dma_wait3A_351 = tpu.memref_slice %arg7[%dma_wait3A_340] : memref<8x!tpu.dma_semaphore, #tpu.memory_space<semaphore_mem>> -> memref<1x!tpu.dma_semaphore, #tpu.memory_space<semaphore_mem>>
      %dma_wait3A_352 = tpu.memref_squeeze %dma_wait3A_351 : memref<1x!tpu.dma_semaphore, #tpu.memory_space<semaphore_mem>> -> memref<!tpu.dma_semaphore, #tpu.memory_space<semaphore_mem>>
      tpu.wait_indirect_dma semaphore(%dma_wait3A_352 : memref<!tpu.dma_semaphore, #tpu.memory_space<semaphore_mem>>) src(%dma_wait3A_350 : memref<1000000x64xf32, #tpu.memory_space<hbm>>) dst(%dma_wait3A_344 : memref<128x64xf32, #tpu.memory_space<vmem>>)
      %mul3A_353 = arith.constant 128 : i32
      %mul3A_354 = arith.muli %add3A_338, %mul3A_353 : i32
      %add3A_355 = arith.addi %mul3A_2, %mul3A_354 : i32
      %dma_start3A_356 = arith.constant 3 : i32
      %dma_start3A_357 = arith.constant 3 : i32
      %dma_start3A_358 = arith.constant 0 : i32
      %dma_start3A_359 = arith.constant 0 : i32
      %dma_start3A_360 = tpu.memref_slice %arg6[%dma_start3A_356, %dma_start3A_358, %dma_start3A_359] : memref<8x128x64xf32, #tpu.memory_space<vmem>> -> memref<1x128x64xf32, #tpu.memory_space<vmem>>
      %dma_start3A_361 = tpu.memref_squeeze %dma_start3A_360 : memref<1x128x64xf32, #tpu.memory_space<vmem>> -> memref<128x64xf32, #tpu.memory_space<vmem>>
      %dma_start3A_362 = arith.constant 0 : i32
      %dma_start3A_363 = tpu.memref_slice %arg4[%add3A_355, %dma_start3A_362] : memref<819200x64xf32, #tpu.memory_space<hbm>> -> memref<128x64xf32, #tpu.memory_space<hbm>>
      %dma_start3A_364 = tpu.memref_slice %arg8[%dma_start3A_357] : memref<8x!tpu.dma_semaphore, #tpu.memory_space<semaphore_mem>> -> memref<1x!tpu.dma_semaphore, #tpu.memory_space<semaphore_mem>>
      %dma_start3A_365 = tpu.memref_squeeze %dma_start3A_364 : memref<1x!tpu.dma_semaphore, #tpu.memory_space<semaphore_mem>> -> memref<!tpu.dma_semaphore, #tpu.memory_space<semaphore_mem>>
      %dma_start3A_366 = arith.constant 0 : i32
      %dma_start3A_367 = tpu.memref_slice %arg4[%add3A_355, %dma_start3A_366] : memref<819200x64xf32, #tpu.memory_space<hbm>> -> memref<128x64xf32, #tpu.memory_space<hbm>>
      %dma_start3A_368 = arith.constant 0 : i32
      %dma_start3A_369 = arith.constant 0 : i32
      %dma_start3A_370 = tpu.memref_slice %arg6[%dma_start3A_356, %dma_start3A_368, %dma_start3A_369] : memref<8x128x64xf32, #tpu.memory_space<vmem>> -> memref<1x128x64xf32, #tpu.memory_space<vmem>>
      %dma_start3A_371 = tpu.memref_squeeze %dma_start3A_370 : memref<1x128x64xf32, #tpu.memory_space<vmem>> -> memref<128x64xf32, #tpu.memory_space<vmem>>
      tpu.enqueue_dma source(%dma_start3A_371 : memref<128x64xf32, #tpu.memory_space<vmem>>) target(%dma_start3A_367 : memref<128x64xf32, #tpu.memory_space<hbm>>) target_semaphore(%dma_start3A_365 : memref<!tpu.dma_semaphore, #tpu.memory_space<semaphore_mem>>)
      %add3A_372 = arith.constant 4 : i32
      %add3A_373 = arith.addi %add3A_338, %add3A_372 : i32
      %lt3A_374 = arith.constant 200 : i32
      %lt3A_375 = arith.cmpi slt, %add3A_373, %lt3A_374 : i32
      %convert_element_type3A_376 = arith.extui %lt3A_375 : i1 to i32
      %cond3A_377 = arith.constant 0 : i32
      %cond3A_378 = arith.cmpi ne, %convert_element_type3A_376, %cond3A_377 : i32
      scf.if %cond3A_378 {
        %ge3A = arith.constant 8 : i32
        %ge3A_547 = arith.cmpi sge, %add3A_373, %ge3A : i32
        %convert_element_type3A_548 = arith.extui %ge3A_547 : i1 to i32
        %cond3A_549 = arith.constant 0 : i32
        %cond3A_550 = arith.cmpi ne, %convert_element_type3A_548, %cond3A_549 : i32
        scf.if %cond3A_550 {
          %sub3A = arith.constant 8 : i32
          %sub3A_565 = arith.subi %add3A_373, %sub3A : i32
          %mul3A_566 = arith.constant 128 : i32
          %mul3A_567 = arith.muli %sub3A_565, %mul3A_566 : i32
          %add3A_568 = arith.addi %mul3A_2, %mul3A_567 : i32
          %dma_wait3A_569 = arith.constant 7 : i32
          %dma_wait3A_570 = arith.constant 7 : i32
          %dma_wait3A_571 = arith.constant 0 : i32
          %dma_wait3A_572 = arith.constant 0 : i32
          %dma_wait3A_573 = tpu.memref_slice %arg6[%dma_wait3A_569, %dma_wait3A_571, %dma_wait3A_572] : memref<8x128x64xf32, #tpu.memory_space<vmem>> -> memref<1x128x64xf32, #tpu.memory_space<vmem>>
          %dma_wait3A_574 = tpu.memref_squeeze %dma_wait3A_573 : memref<1x128x64xf32, #tpu.memory_space<vmem>> -> memref<128x64xf32, #tpu.memory_space<vmem>>
          %dma_wait3A_575 = arith.constant 0 : i32
          %dma_wait3A_576 = tpu.memref_slice %arg4[%add3A_568, %dma_wait3A_575] : memref<819200x64xf32, #tpu.memory_space<hbm>> -> memref<128x64xf32, #tpu.memory_space<hbm>>
          %dma_wait3A_577 = tpu.memref_slice %arg8[%dma_wait3A_570] : memref<8x!tpu.dma_semaphore, #tpu.memory_space<semaphore_mem>> -> memref<1x!tpu.dma_semaphore, #tpu.memory_space<semaphore_mem>>
          %dma_wait3A_578 = tpu.memref_squeeze %dma_wait3A_577 : memref<1x!tpu.dma_semaphore, #tpu.memory_space<semaphore_mem>> -> memref<!tpu.dma_semaphore, #tpu.memory_space<semaphore_mem>>
          %dma_wait3A_579 = arith.constant 0 : i32
          %dma_wait3A_580 = tpu.memref_slice %arg4[%add3A_568, %dma_wait3A_579] : memref<819200x64xf32, #tpu.memory_space<hbm>> -> memref<128x64xf32, #tpu.memory_space<hbm>>
          %dma_wait3A_581 = arith.constant 0 : i32
          %dma_wait3A_582 = arith.constant 0 : i32
          %dma_wait3A_583 = tpu.memref_slice %arg6[%dma_wait3A_569, %dma_wait3A_581, %dma_wait3A_582] : memref<8x128x64xf32, #tpu.memory_space<vmem>> -> memref<1x128x64xf32, #tpu.memory_space<vmem>>
          %dma_wait3A_584 = tpu.memref_squeeze %dma_wait3A_583 : memref<1x128x64xf32, #tpu.memory_space<vmem>> -> memref<128x64xf32, #tpu.memory_space<vmem>>
          tpu.wait_dma2 semaphore(%dma_wait3A_578 : memref<!tpu.dma_semaphore, #tpu.memory_space<semaphore_mem>>) src(%dma_wait3A_584 : memref<128x64xf32, #tpu.memory_space<vmem>>) dst(%dma_wait3A_580 : memref<128x64xf32, #tpu.memory_space<hbm>>)
        } else {
        }
        %dma_start3A_551 = arith.constant 7 : i32
        %dma_start3A_552 = arith.constant 7 : i32
        %dma_start3A_553 = arith.constant 0 : i32
        %dma_start3A_554 = arith.constant 0 : i32
        %dma_start3A_555 = tpu.memref_slice %arg6[%dma_start3A_551, %dma_start3A_553, %dma_start3A_554] : memref<8x128x64xf32, #tpu.memory_space<vmem>> -> memref<1x128x64xf32, #tpu.memory_space<vmem>>
        %dma_start3A_556 = tpu.memref_squeeze %dma_start3A_555 : memref<1x128x64xf32, #tpu.memory_space<vmem>> -> memref<128x64xf32, #tpu.memory_space<vmem>>
        %dma_start3A_557 = arith.constant 0 : i32
        %dma_start3A_558 = tpu.memref_slice %arg5[%add3A_373, %dma_start3A_557] : memref<200x128xi32, #tpu.memory_space<vmem>> -> memref<1x128xi32, #tpu.memory_space<vmem>>
        %dma_start3A_559 = tpu.memref_squeeze %dma_start3A_558 : memref<1x128xi32, #tpu.memory_space<vmem>> -> memref<128xi32, #tpu.memory_space<vmem>>
        %dma_start3A_560 = arith.constant 0 : i32
        %dma_start3A_561 = arith.constant 0 : i32
        %dma_start3A_562 = tpu.memref_slice %arg2[%dma_start3A_560, %dma_start3A_561] : memref<1000000x64xf32, #tpu.memory_space<hbm>> -> memref<1000000x64xf32, #tpu.memory_space<hbm>>
        %dma_start3A_563 = tpu.memref_slice %arg7[%dma_start3A_552] : memref<8x!tpu.dma_semaphore, #tpu.memory_space<semaphore_mem>> -> memref<1x!tpu.dma_semaphore, #tpu.memory_space<semaphore_mem>>
        %dma_start3A_564 = tpu.memref_squeeze %dma_start3A_563 : memref<1x!tpu.dma_semaphore, #tpu.memory_space<semaphore_mem>> -> memref<!tpu.dma_semaphore, #tpu.memory_space<semaphore_mem>>
        tpu.enqueue_indirect_dma source(%dma_start3A_562 : memref<1000000x64xf32, #tpu.memory_space<hbm>>) target(%dma_start3A_556 : memref<128x64xf32, #tpu.memory_space<vmem>>) offsets(%dma_start3A_559 : memref<128xi32, #tpu.memory_space<vmem>>) semaphore(%dma_start3A_564 : memref<!tpu.dma_semaphore, #tpu.memory_space<semaphore_mem>>)
      } else {
      }
      %add3A_379 = arith.constant 4 : i32
      %add3A_380 = arith.addi %add3A_213, %add3A_379 : i32
      %dma_wait3A_381 = arith.constant 4 : i32
      %dma_wait3A_382 = arith.constant 4 : i32
      %dma_wait3A_383 = arith.constant 0 : i32
      %dma_wait3A_384 = arith.constant 0 : i32
      %dma_wait3A_385 = tpu.memref_slice %arg6[%dma_wait3A_381, %dma_wait3A_383, %dma_wait3A_384] : memref<8x128x64xf32, #tpu.memory_space<vmem>> -> memref<1x128x64xf32, #tpu.memory_space<vmem>>
      %dma_wait3A_386 = tpu.memref_squeeze %dma_wait3A_385 : memref<1x128x64xf32, #tpu.memory_space<vmem>> -> memref<128x64xf32, #tpu.memory_space<vmem>>
      %dma_wait3A_387 = arith.constant 0 : i32
      %dma_wait3A_388 = tpu.memref_slice %arg5[%add3A_380, %dma_wait3A_387] : memref<200x128xi32, #tpu.memory_space<vmem>> -> memref<1x128xi32, #tpu.memory_space<vmem>>
      %dma_wait3A_389 = tpu.memref_squeeze %dma_wait3A_388 : memref<1x128xi32, #tpu.memory_space<vmem>> -> memref<128xi32, #tpu.memory_space<vmem>>
      %dma_wait3A_390 = arith.constant 0 : i32
      %dma_wait3A_391 = arith.constant 0 : i32
      %dma_wait3A_392 = tpu.memref_slice %arg2[%dma_wait3A_390, %dma_wait3A_391] : memref<1000000x64xf32, #tpu.memory_space<hbm>> -> memref<1000000x64xf32, #tpu.memory_space<hbm>>
      %dma_wait3A_393 = tpu.memref_slice %arg7[%dma_wait3A_382] : memref<8x!tpu.dma_semaphore, #tpu.memory_space<semaphore_mem>> -> memref<1x!tpu.dma_semaphore, #tpu.memory_space<semaphore_mem>>
      %dma_wait3A_394 = tpu.memref_squeeze %dma_wait3A_393 : memref<1x!tpu.dma_semaphore, #tpu.memory_space<semaphore_mem>> -> memref<!tpu.dma_semaphore, #tpu.memory_space<semaphore_mem>>
      tpu.wait_indirect_dma semaphore(%dma_wait3A_394 : memref<!tpu.dma_semaphore, #tpu.memory_space<semaphore_mem>>) src(%dma_wait3A_392 : memref<1000000x64xf32, #tpu.memory_space<hbm>>) dst(%dma_wait3A_386 : memref<128x64xf32, #tpu.memory_space<vmem>>)
      %mul3A_395 = arith.constant 128 : i32
      %mul3A_396 = arith.muli %add3A_380, %mul3A_395 : i32
      %add3A_397 = arith.addi %mul3A_2, %mul3A_396 : i32
      %dma_start3A_398 = arith.constant 4 : i32
      %dma_start3A_399 = arith.constant 4 : i32
      %dma_start3A_400 = arith.constant 0 : i32
      %dma_start3A_401 = arith.constant 0 : i32
      %dma_start3A_402 = tpu.memref_slice %arg6[%dma_start3A_398, %dma_start3A_400, %dma_start3A_401] : memref<8x128x64xf32, #tpu.memory_space<vmem>> -> memref<1x128x64xf32, #tpu.memory_space<vmem>>
      %dma_start3A_403 = tpu.memref_squeeze %dma_start3A_402 : memref<1x128x64xf32, #tpu.memory_space<vmem>> -> memref<128x64xf32, #tpu.memory_space<vmem>>
      %dma_start3A_404 = arith.constant 0 : i32
      %dma_start3A_405 = tpu.memref_slice %arg4[%add3A_397, %dma_start3A_404] : memref<819200x64xf32, #tpu.memory_space<hbm>> -> memref<128x64xf32, #tpu.memory_space<hbm>>
      %dma_start3A_406 = tpu.memref_slice %arg8[%dma_start3A_399] : memref<8x!tpu.dma_semaphore, #tpu.memory_space<semaphore_mem>> -> memref<1x!tpu.dma_semaphore, #tpu.memory_space<semaphore_mem>>
      %dma_start3A_407 = tpu.memref_squeeze %dma_start3A_406 : memref<1x!tpu.dma_semaphore, #tpu.memory_space<semaphore_mem>> -> memref<!tpu.dma_semaphore, #tpu.memory_space<semaphore_mem>>
      %dma_start3A_408 = arith.constant 0 : i32
      %dma_start3A_409 = tpu.memref_slice %arg4[%add3A_397, %dma_start3A_408] : memref<819200x64xf32, #tpu.memory_space<hbm>> -> memref<128x64xf32, #tpu.memory_space<hbm>>
      %dma_start3A_410 = arith.constant 0 : i32
      %dma_start3A_411 = arith.constant 0 : i32
      %dma_start3A_412 = tpu.memref_slice %arg6[%dma_start3A_398, %dma_start3A_410, %dma_start3A_411] : memref<8x128x64xf32, #tpu.memory_space<vmem>> -> memref<1x128x64xf32, #tpu.memory_space<vmem>>
      %dma_start3A_413 = tpu.memref_squeeze %dma_start3A_412 : memref<1x128x64xf32, #tpu.memory_space<vmem>> -> memref<128x64xf32, #tpu.memory_space<vmem>>
      tpu.enqueue_dma source(%dma_start3A_413 : memref<128x64xf32, #tpu.memory_space<vmem>>) target(%dma_start3A_409 : memref<128x64xf32, #tpu.memory_space<hbm>>) target_semaphore(%dma_start3A_407 : memref<!tpu.dma_semaphore, #tpu.memory_space<semaphore_mem>>)
      %add3A_414 = arith.constant 4 : i32
      %add3A_415 = arith.addi %add3A_380, %add3A_414 : i32
      %lt3A_416 = arith.constant 200 : i32
      %lt3A_417 = arith.cmpi slt, %add3A_415, %lt3A_416 : i32
      %convert_element_type3A_418 = arith.extui %lt3A_417 : i1 to i32
      %cond3A_419 = arith.constant 0 : i32
      %cond3A_420 = arith.cmpi ne, %convert_element_type3A_418, %cond3A_419 : i32
      scf.if %cond3A_420 {
        %ge3A = arith.constant 8 : i32
        %ge3A_547 = arith.cmpi sge, %add3A_415, %ge3A : i32
        %convert_element_type3A_548 = arith.extui %ge3A_547 : i1 to i32
        %cond3A_549 = arith.constant 0 : i32
        %cond3A_550 = arith.cmpi ne, %convert_element_type3A_548, %cond3A_549 : i32
        scf.if %cond3A_550 {
          %sub3A = arith.constant 8 : i32
          %sub3A_565 = arith.subi %add3A_415, %sub3A : i32
          %mul3A_566 = arith.constant 128 : i32
          %mul3A_567 = arith.muli %sub3A_565, %mul3A_566 : i32
          %add3A_568 = arith.addi %mul3A_2, %mul3A_567 : i32
          %dma_wait3A_569 = arith.constant 0 : i32
          %dma_wait3A_570 = arith.constant 0 : i32
          %dma_wait3A_571 = arith.constant 0 : i32
          %dma_wait3A_572 = arith.constant 0 : i32
          %dma_wait3A_573 = tpu.memref_slice %arg6[%dma_wait3A_569, %dma_wait3A_571, %dma_wait3A_572] : memref<8x128x64xf32, #tpu.memory_space<vmem>> -> memref<1x128x64xf32, #tpu.memory_space<vmem>>
          %dma_wait3A_574 = tpu.memref_squeeze %dma_wait3A_573 : memref<1x128x64xf32, #tpu.memory_space<vmem>> -> memref<128x64xf32, #tpu.memory_space<vmem>>
          %dma_wait3A_575 = arith.constant 0 : i32
          %dma_wait3A_576 = tpu.memref_slice %arg4[%add3A_568, %dma_wait3A_575] : memref<819200x64xf32, #tpu.memory_space<hbm>> -> memref<128x64xf32, #tpu.memory_space<hbm>>
          %dma_wait3A_577 = tpu.memref_slice %arg8[%dma_wait3A_570] : memref<8x!tpu.dma_semaphore, #tpu.memory_space<semaphore_mem>> -> memref<1x!tpu.dma_semaphore, #tpu.memory_space<semaphore_mem>>
          %dma_wait3A_578 = tpu.memref_squeeze %dma_wait3A_577 : memref<1x!tpu.dma_semaphore, #tpu.memory_space<semaphore_mem>> -> memref<!tpu.dma_semaphore, #tpu.memory_space<semaphore_mem>>
          %dma_wait3A_579 = arith.constant 0 : i32
          %dma_wait3A_580 = tpu.memref_slice %arg4[%add3A_568, %dma_wait3A_579] : memref<819200x64xf32, #tpu.memory_space<hbm>> -> memref<128x64xf32, #tpu.memory_space<hbm>>
          %dma_wait3A_581 = arith.constant 0 : i32
          %dma_wait3A_582 = arith.constant 0 : i32
          %dma_wait3A_583 = tpu.memref_slice %arg6[%dma_wait3A_569, %dma_wait3A_581, %dma_wait3A_582] : memref<8x128x64xf32, #tpu.memory_space<vmem>> -> memref<1x128x64xf32, #tpu.memory_space<vmem>>
          %dma_wait3A_584 = tpu.memref_squeeze %dma_wait3A_583 : memref<1x128x64xf32, #tpu.memory_space<vmem>> -> memref<128x64xf32, #tpu.memory_space<vmem>>
          tpu.wait_dma2 semaphore(%dma_wait3A_578 : memref<!tpu.dma_semaphore, #tpu.memory_space<semaphore_mem>>) src(%dma_wait3A_584 : memref<128x64xf32, #tpu.memory_space<vmem>>) dst(%dma_wait3A_580 : memref<128x64xf32, #tpu.memory_space<hbm>>)
        } else {
        }
        %dma_start3A_551 = arith.constant 0 : i32
        %dma_start3A_552 = arith.constant 0 : i32
        %dma_start3A_553 = arith.constant 0 : i32
        %dma_start3A_554 = arith.constant 0 : i32
        %dma_start3A_555 = tpu.memref_slice %arg6[%dma_start3A_551, %dma_start3A_553, %dma_start3A_554] : memref<8x128x64xf32, #tpu.memory_space<vmem>> -> memref<1x128x64xf32, #tpu.memory_space<vmem>>
        %dma_start3A_556 = tpu.memref_squeeze %dma_start3A_555 : memref<1x128x64xf32, #tpu.memory_space<vmem>> -> memref<128x64xf32, #tpu.memory_space<vmem>>
        %dma_start3A_557 = arith.constant 0 : i32
        %dma_start3A_558 = tpu.memref_slice %arg5[%add3A_415, %dma_start3A_557] : memref<200x128xi32, #tpu.memory_space<vmem>> -> memref<1x128xi32, #tpu.memory_space<vmem>>
        %dma_start3A_559 = tpu.memref_squeeze %dma_start3A_558 : memref<1x128xi32, #tpu.memory_space<vmem>> -> memref<128xi32, #tpu.memory_space<vmem>>
        %dma_start3A_560 = arith.constant 0 : i32
        %dma_start3A_561 = arith.constant 0 : i32
        %dma_start3A_562 = tpu.memref_slice %arg2[%dma_start3A_560, %dma_start3A_561] : memref<1000000x64xf32, #tpu.memory_space<hbm>> -> memref<1000000x64xf32, #tpu.memory_space<hbm>>
        %dma_start3A_563 = tpu.memref_slice %arg7[%dma_start3A_552] : memref<8x!tpu.dma_semaphore, #tpu.memory_space<semaphore_mem>> -> memref<1x!tpu.dma_semaphore, #tpu.memory_space<semaphore_mem>>
        %dma_start3A_564 = tpu.memref_squeeze %dma_start3A_563 : memref<1x!tpu.dma_semaphore, #tpu.memory_space<semaphore_mem>> -> memref<!tpu.dma_semaphore, #tpu.memory_space<semaphore_mem>>
        tpu.enqueue_indirect_dma source(%dma_start3A_562 : memref<1000000x64xf32, #tpu.memory_space<hbm>>) target(%dma_start3A_556 : memref<128x64xf32, #tpu.memory_space<vmem>>) offsets(%dma_start3A_559 : memref<128xi32, #tpu.memory_space<vmem>>) semaphore(%dma_start3A_564 : memref<!tpu.dma_semaphore, #tpu.memory_space<semaphore_mem>>)
      } else {
      }
      %add3A_421 = arith.constant 5 : i32
      %add3A_422 = arith.addi %add3A_213, %add3A_421 : i32
      %dma_wait3A_423 = arith.constant 5 : i32
      %dma_wait3A_424 = arith.constant 5 : i32
      %dma_wait3A_425 = arith.constant 0 : i32
      %dma_wait3A_426 = arith.constant 0 : i32
      %dma_wait3A_427 = tpu.memref_slice %arg6[%dma_wait3A_423, %dma_wait3A_425, %dma_wait3A_426] : memref<8x128x64xf32, #tpu.memory_space<vmem>> -> memref<1x128x64xf32, #tpu.memory_space<vmem>>
      %dma_wait3A_428 = tpu.memref_squeeze %dma_wait3A_427 : memref<1x128x64xf32, #tpu.memory_space<vmem>> -> memref<128x64xf32, #tpu.memory_space<vmem>>
      %dma_wait3A_429 = arith.constant 0 : i32
      %dma_wait3A_430 = tpu.memref_slice %arg5[%add3A_422, %dma_wait3A_429] : memref<200x128xi32, #tpu.memory_space<vmem>> -> memref<1x128xi32, #tpu.memory_space<vmem>>
      %dma_wait3A_431 = tpu.memref_squeeze %dma_wait3A_430 : memref<1x128xi32, #tpu.memory_space<vmem>> -> memref<128xi32, #tpu.memory_space<vmem>>
      %dma_wait3A_432 = arith.constant 0 : i32
      %dma_wait3A_433 = arith.constant 0 : i32
      %dma_wait3A_434 = tpu.memref_slice %arg2[%dma_wait3A_432, %dma_wait3A_433] : memref<1000000x64xf32, #tpu.memory_space<hbm>> -> memref<1000000x64xf32, #tpu.memory_space<hbm>>
      %dma_wait3A_435 = tpu.memref_slice %arg7[%dma_wait3A_424] : memref<8x!tpu.dma_semaphore, #tpu.memory_space<semaphore_mem>> -> memref<1x!tpu.dma_semaphore, #tpu.memory_space<semaphore_mem>>
      %dma_wait3A_436 = tpu.memref_squeeze %dma_wait3A_435 : memref<1x!tpu.dma_semaphore, #tpu.memory_space<semaphore_mem>> -> memref<!tpu.dma_semaphore, #tpu.memory_space<semaphore_mem>>
      tpu.wait_indirect_dma semaphore(%dma_wait3A_436 : memref<!tpu.dma_semaphore, #tpu.memory_space<semaphore_mem>>) src(%dma_wait3A_434 : memref<1000000x64xf32, #tpu.memory_space<hbm>>) dst(%dma_wait3A_428 : memref<128x64xf32, #tpu.memory_space<vmem>>)
      %mul3A_437 = arith.constant 128 : i32
      %mul3A_438 = arith.muli %add3A_422, %mul3A_437 : i32
      %add3A_439 = arith.addi %mul3A_2, %mul3A_438 : i32
      %dma_start3A_440 = arith.constant 5 : i32
      %dma_start3A_441 = arith.constant 5 : i32
      %dma_start3A_442 = arith.constant 0 : i32
      %dma_start3A_443 = arith.constant 0 : i32
      %dma_start3A_444 = tpu.memref_slice %arg6[%dma_start3A_440, %dma_start3A_442, %dma_start3A_443] : memref<8x128x64xf32, #tpu.memory_space<vmem>> -> memref<1x128x64xf32, #tpu.memory_space<vmem>>
      %dma_start3A_445 = tpu.memref_squeeze %dma_start3A_444 : memref<1x128x64xf32, #tpu.memory_space<vmem>> -> memref<128x64xf32, #tpu.memory_space<vmem>>
      %dma_start3A_446 = arith.constant 0 : i32
      %dma_start3A_447 = tpu.memref_slice %arg4[%add3A_439, %dma_start3A_446] : memref<819200x64xf32, #tpu.memory_space<hbm>> -> memref<128x64xf32, #tpu.memory_space<hbm>>
      %dma_start3A_448 = tpu.memref_slice %arg8[%dma_start3A_441] : memref<8x!tpu.dma_semaphore, #tpu.memory_space<semaphore_mem>> -> memref<1x!tpu.dma_semaphore, #tpu.memory_space<semaphore_mem>>
      %dma_start3A_449 = tpu.memref_squeeze %dma_start3A_448 : memref<1x!tpu.dma_semaphore, #tpu.memory_space<semaphore_mem>> -> memref<!tpu.dma_semaphore, #tpu.memory_space<semaphore_mem>>
      %dma_start3A_450 = arith.constant 0 : i32
      %dma_start3A_451 = tpu.memref_slice %arg4[%add3A_439, %dma_start3A_450] : memref<819200x64xf32, #tpu.memory_space<hbm>> -> memref<128x64xf32, #tpu.memory_space<hbm>>
      %dma_start3A_452 = arith.constant 0 : i32
      %dma_start3A_453 = arith.constant 0 : i32
      %dma_start3A_454 = tpu.memref_slice %arg6[%dma_start3A_440, %dma_start3A_452, %dma_start3A_453] : memref<8x128x64xf32, #tpu.memory_space<vmem>> -> memref<1x128x64xf32, #tpu.memory_space<vmem>>
      %dma_start3A_455 = tpu.memref_squeeze %dma_start3A_454 : memref<1x128x64xf32, #tpu.memory_space<vmem>> -> memref<128x64xf32, #tpu.memory_space<vmem>>
      tpu.enqueue_dma source(%dma_start3A_455 : memref<128x64xf32, #tpu.memory_space<vmem>>) target(%dma_start3A_451 : memref<128x64xf32, #tpu.memory_space<hbm>>) target_semaphore(%dma_start3A_449 : memref<!tpu.dma_semaphore, #tpu.memory_space<semaphore_mem>>)
      %add3A_456 = arith.constant 4 : i32
      %add3A_457 = arith.addi %add3A_422, %add3A_456 : i32
      %lt3A_458 = arith.constant 200 : i32
      %lt3A_459 = arith.cmpi slt, %add3A_457, %lt3A_458 : i32
      %convert_element_type3A_460 = arith.extui %lt3A_459 : i1 to i32
      %cond3A_461 = arith.constant 0 : i32
      %cond3A_462 = arith.cmpi ne, %convert_element_type3A_460, %cond3A_461 : i32
      scf.if %cond3A_462 {
        %ge3A = arith.constant 8 : i32
        %ge3A_547 = arith.cmpi sge, %add3A_457, %ge3A : i32
        %convert_element_type3A_548 = arith.extui %ge3A_547 : i1 to i32
        %cond3A_549 = arith.constant 0 : i32
        %cond3A_550 = arith.cmpi ne, %convert_element_type3A_548, %cond3A_549 : i32
        scf.if %cond3A_550 {
          %sub3A = arith.constant 8 : i32
          %sub3A_565 = arith.subi %add3A_457, %sub3A : i32
          %mul3A_566 = arith.constant 128 : i32
          %mul3A_567 = arith.muli %sub3A_565, %mul3A_566 : i32
          %add3A_568 = arith.addi %mul3A_2, %mul3A_567 : i32
          %dma_wait3A_569 = arith.constant 1 : i32
          %dma_wait3A_570 = arith.constant 1 : i32
          %dma_wait3A_571 = arith.constant 0 : i32
          %dma_wait3A_572 = arith.constant 0 : i32
          %dma_wait3A_573 = tpu.memref_slice %arg6[%dma_wait3A_569, %dma_wait3A_571, %dma_wait3A_572] : memref<8x128x64xf32, #tpu.memory_space<vmem>> -> memref<1x128x64xf32, #tpu.memory_space<vmem>>
          %dma_wait3A_574 = tpu.memref_squeeze %dma_wait3A_573 : memref<1x128x64xf32, #tpu.memory_space<vmem>> -> memref<128x64xf32, #tpu.memory_space<vmem>>
          %dma_wait3A_575 = arith.constant 0 : i32
          %dma_wait3A_576 = tpu.memref_slice %arg4[%add3A_568, %dma_wait3A_575] : memref<819200x64xf32, #tpu.memory_space<hbm>> -> memref<128x64xf32, #tpu.memory_space<hbm>>
          %dma_wait3A_577 = tpu.memref_slice %arg8[%dma_wait3A_570] : memref<8x!tpu.dma_semaphore, #tpu.memory_space<semaphore_mem>> -> memref<1x!tpu.dma_semaphore, #tpu.memory_space<semaphore_mem>>
          %dma_wait3A_578 = tpu.memref_squeeze %dma_wait3A_577 : memref<1x!tpu.dma_semaphore, #tpu.memory_space<semaphore_mem>> -> memref<!tpu.dma_semaphore, #tpu.memory_space<semaphore_mem>>
          %dma_wait3A_579 = arith.constant 0 : i32
          %dma_wait3A_580 = tpu.memref_slice %arg4[%add3A_568, %dma_wait3A_579] : memref<819200x64xf32, #tpu.memory_space<hbm>> -> memref<128x64xf32, #tpu.memory_space<hbm>>
          %dma_wait3A_581 = arith.constant 0 : i32
          %dma_wait3A_582 = arith.constant 0 : i32
          %dma_wait3A_583 = tpu.memref_slice %arg6[%dma_wait3A_569, %dma_wait3A_581, %dma_wait3A_582] : memref<8x128x64xf32, #tpu.memory_space<vmem>> -> memref<1x128x64xf32, #tpu.memory_space<vmem>>
          %dma_wait3A_584 = tpu.memref_squeeze %dma_wait3A_583 : memref<1x128x64xf32, #tpu.memory_space<vmem>> -> memref<128x64xf32, #tpu.memory_space<vmem>>
          tpu.wait_dma2 semaphore(%dma_wait3A_578 : memref<!tpu.dma_semaphore, #tpu.memory_space<semaphore_mem>>) src(%dma_wait3A_584 : memref<128x64xf32, #tpu.memory_space<vmem>>) dst(%dma_wait3A_580 : memref<128x64xf32, #tpu.memory_space<hbm>>)
        } else {
        }
        %dma_start3A_551 = arith.constant 1 : i32
        %dma_start3A_552 = arith.constant 1 : i32
        %dma_start3A_553 = arith.constant 0 : i32
        %dma_start3A_554 = arith.constant 0 : i32
        %dma_start3A_555 = tpu.memref_slice %arg6[%dma_start3A_551, %dma_start3A_553, %dma_start3A_554] : memref<8x128x64xf32, #tpu.memory_space<vmem>> -> memref<1x128x64xf32, #tpu.memory_space<vmem>>
        %dma_start3A_556 = tpu.memref_squeeze %dma_start3A_555 : memref<1x128x64xf32, #tpu.memory_space<vmem>> -> memref<128x64xf32, #tpu.memory_space<vmem>>
        %dma_start3A_557 = arith.constant 0 : i32
        %dma_start3A_558 = tpu.memref_slice %arg5[%add3A_457, %dma_start3A_557] : memref<200x128xi32, #tpu.memory_space<vmem>> -> memref<1x128xi32, #tpu.memory_space<vmem>>
        %dma_start3A_559 = tpu.memref_squeeze %dma_start3A_558 : memref<1x128xi32, #tpu.memory_space<vmem>> -> memref<128xi32, #tpu.memory_space<vmem>>
        %dma_start3A_560 = arith.constant 0 : i32
        %dma_start3A_561 = arith.constant 0 : i32
        %dma_start3A_562 = tpu.memref_slice %arg2[%dma_start3A_560, %dma_start3A_561] : memref<1000000x64xf32, #tpu.memory_space<hbm>> -> memref<1000000x64xf32, #tpu.memory_space<hbm>>
        %dma_start3A_563 = tpu.memref_slice %arg7[%dma_start3A_552] : memref<8x!tpu.dma_semaphore, #tpu.memory_space<semaphore_mem>> -> memref<1x!tpu.dma_semaphore, #tpu.memory_space<semaphore_mem>>
        %dma_start3A_564 = tpu.memref_squeeze %dma_start3A_563 : memref<1x!tpu.dma_semaphore, #tpu.memory_space<semaphore_mem>> -> memref<!tpu.dma_semaphore, #tpu.memory_space<semaphore_mem>>
        tpu.enqueue_indirect_dma source(%dma_start3A_562 : memref<1000000x64xf32, #tpu.memory_space<hbm>>) target(%dma_start3A_556 : memref<128x64xf32, #tpu.memory_space<vmem>>) offsets(%dma_start3A_559 : memref<128xi32, #tpu.memory_space<vmem>>) semaphore(%dma_start3A_564 : memref<!tpu.dma_semaphore, #tpu.memory_space<semaphore_mem>>)
      } else {
      }
      %add3A_463 = arith.constant 6 : i32
      %add3A_464 = arith.addi %add3A_213, %add3A_463 : i32
      %dma_wait3A_465 = arith.constant 6 : i32
      %dma_wait3A_466 = arith.constant 6 : i32
      %dma_wait3A_467 = arith.constant 0 : i32
      %dma_wait3A_468 = arith.constant 0 : i32
      %dma_wait3A_469 = tpu.memref_slice %arg6[%dma_wait3A_465, %dma_wait3A_467, %dma_wait3A_468] : memref<8x128x64xf32, #tpu.memory_space<vmem>> -> memref<1x128x64xf32, #tpu.memory_space<vmem>>
      %dma_wait3A_470 = tpu.memref_squeeze %dma_wait3A_469 : memref<1x128x64xf32, #tpu.memory_space<vmem>> -> memref<128x64xf32, #tpu.memory_space<vmem>>
      %dma_wait3A_471 = arith.constant 0 : i32
      %dma_wait3A_472 = tpu.memref_slice %arg5[%add3A_464, %dma_wait3A_471] : memref<200x128xi32, #tpu.memory_space<vmem>> -> memref<1x128xi32, #tpu.memory_space<vmem>>
      %dma_wait3A_473 = tpu.memref_squeeze %dma_wait3A_472 : memref<1x128xi32, #tpu.memory_space<vmem>> -> memref<128xi32, #tpu.memory_space<vmem>>
      %dma_wait3A_474 = arith.constant 0 : i32
      %dma_wait3A_475 = arith.constant 0 : i32
      %dma_wait3A_476 = tpu.memref_slice %arg2[%dma_wait3A_474, %dma_wait3A_475] : memref<1000000x64xf32, #tpu.memory_space<hbm>> -> memref<1000000x64xf32, #tpu.memory_space<hbm>>
      %dma_wait3A_477 = tpu.memref_slice %arg7[%dma_wait3A_466] : memref<8x!tpu.dma_semaphore, #tpu.memory_space<semaphore_mem>> -> memref<1x!tpu.dma_semaphore, #tpu.memory_space<semaphore_mem>>
      %dma_wait3A_478 = tpu.memref_squeeze %dma_wait3A_477 : memref<1x!tpu.dma_semaphore, #tpu.memory_space<semaphore_mem>> -> memref<!tpu.dma_semaphore, #tpu.memory_space<semaphore_mem>>
      tpu.wait_indirect_dma semaphore(%dma_wait3A_478 : memref<!tpu.dma_semaphore, #tpu.memory_space<semaphore_mem>>) src(%dma_wait3A_476 : memref<1000000x64xf32, #tpu.memory_space<hbm>>) dst(%dma_wait3A_470 : memref<128x64xf32, #tpu.memory_space<vmem>>)
      %mul3A_479 = arith.constant 128 : i32
      %mul3A_480 = arith.muli %add3A_464, %mul3A_479 : i32
      %add3A_481 = arith.addi %mul3A_2, %mul3A_480 : i32
      %dma_start3A_482 = arith.constant 6 : i32
      %dma_start3A_483 = arith.constant 6 : i32
      %dma_start3A_484 = arith.constant 0 : i32
      %dma_start3A_485 = arith.constant 0 : i32
      %dma_start3A_486 = tpu.memref_slice %arg6[%dma_start3A_482, %dma_start3A_484, %dma_start3A_485] : memref<8x128x64xf32, #tpu.memory_space<vmem>> -> memref<1x128x64xf32, #tpu.memory_space<vmem>>
      %dma_start3A_487 = tpu.memref_squeeze %dma_start3A_486 : memref<1x128x64xf32, #tpu.memory_space<vmem>> -> memref<128x64xf32, #tpu.memory_space<vmem>>
      %dma_start3A_488 = arith.constant 0 : i32
      %dma_start3A_489 = tpu.memref_slice %arg4[%add3A_481, %dma_start3A_488] : memref<819200x64xf32, #tpu.memory_space<hbm>> -> memref<128x64xf32, #tpu.memory_space<hbm>>
      %dma_start3A_490 = tpu.memref_slice %arg8[%dma_start3A_483] : memref<8x!tpu.dma_semaphore, #tpu.memory_space<semaphore_mem>> -> memref<1x!tpu.dma_semaphore, #tpu.memory_space<semaphore_mem>>
      %dma_start3A_491 = tpu.memref_squeeze %dma_start3A_490 : memref<1x!tpu.dma_semaphore, #tpu.memory_space<semaphore_mem>> -> memref<!tpu.dma_semaphore, #tpu.memory_space<semaphore_mem>>
      %dma_start3A_492 = arith.constant 0 : i32
      %dma_start3A_493 = tpu.memref_slice %arg4[%add3A_481, %dma_start3A_492] : memref<819200x64xf32, #tpu.memory_space<hbm>> -> memref<128x64xf32, #tpu.memory_space<hbm>>
      %dma_start3A_494 = arith.constant 0 : i32
      %dma_start3A_495 = arith.constant 0 : i32
      %dma_start3A_496 = tpu.memref_slice %arg6[%dma_start3A_482, %dma_start3A_494, %dma_start3A_495] : memref<8x128x64xf32, #tpu.memory_space<vmem>> -> memref<1x128x64xf32, #tpu.memory_space<vmem>>
      %dma_start3A_497 = tpu.memref_squeeze %dma_start3A_496 : memref<1x128x64xf32, #tpu.memory_space<vmem>> -> memref<128x64xf32, #tpu.memory_space<vmem>>
      tpu.enqueue_dma source(%dma_start3A_497 : memref<128x64xf32, #tpu.memory_space<vmem>>) target(%dma_start3A_493 : memref<128x64xf32, #tpu.memory_space<hbm>>) target_semaphore(%dma_start3A_491 : memref<!tpu.dma_semaphore, #tpu.memory_space<semaphore_mem>>)
      %add3A_498 = arith.constant 4 : i32
      %add3A_499 = arith.addi %add3A_464, %add3A_498 : i32
      %lt3A_500 = arith.constant 200 : i32
      %lt3A_501 = arith.cmpi slt, %add3A_499, %lt3A_500 : i32
      %convert_element_type3A_502 = arith.extui %lt3A_501 : i1 to i32
      %cond3A_503 = arith.constant 0 : i32
      %cond3A_504 = arith.cmpi ne, %convert_element_type3A_502, %cond3A_503 : i32
      scf.if %cond3A_504 {
        %ge3A = arith.constant 8 : i32
        %ge3A_547 = arith.cmpi sge, %add3A_499, %ge3A : i32
        %convert_element_type3A_548 = arith.extui %ge3A_547 : i1 to i32
        %cond3A_549 = arith.constant 0 : i32
        %cond3A_550 = arith.cmpi ne, %convert_element_type3A_548, %cond3A_549 : i32
        scf.if %cond3A_550 {
          %sub3A = arith.constant 8 : i32
          %sub3A_565 = arith.subi %add3A_499, %sub3A : i32
          %mul3A_566 = arith.constant 128 : i32
          %mul3A_567 = arith.muli %sub3A_565, %mul3A_566 : i32
          %add3A_568 = arith.addi %mul3A_2, %mul3A_567 : i32
          %dma_wait3A_569 = arith.constant 2 : i32
          %dma_wait3A_570 = arith.constant 2 : i32
          %dma_wait3A_571 = arith.constant 0 : i32
          %dma_wait3A_572 = arith.constant 0 : i32
          %dma_wait3A_573 = tpu.memref_slice %arg6[%dma_wait3A_569, %dma_wait3A_571, %dma_wait3A_572] : memref<8x128x64xf32, #tpu.memory_space<vmem>> -> memref<1x128x64xf32, #tpu.memory_space<vmem>>
          %dma_wait3A_574 = tpu.memref_squeeze %dma_wait3A_573 : memref<1x128x64xf32, #tpu.memory_space<vmem>> -> memref<128x64xf32, #tpu.memory_space<vmem>>
          %dma_wait3A_575 = arith.constant 0 : i32
          %dma_wait3A_576 = tpu.memref_slice %arg4[%add3A_568, %dma_wait3A_575] : memref<819200x64xf32, #tpu.memory_space<hbm>> -> memref<128x64xf32, #tpu.memory_space<hbm>>
          %dma_wait3A_577 = tpu.memref_slice %arg8[%dma_wait3A_570] : memref<8x!tpu.dma_semaphore, #tpu.memory_space<semaphore_mem>> -> memref<1x!tpu.dma_semaphore, #tpu.memory_space<semaphore_mem>>
          %dma_wait3A_578 = tpu.memref_squeeze %dma_wait3A_577 : memref<1x!tpu.dma_semaphore, #tpu.memory_space<semaphore_mem>> -> memref<!tpu.dma_semaphore, #tpu.memory_space<semaphore_mem>>
          %dma_wait3A_579 = arith.constant 0 : i32
          %dma_wait3A_580 = tpu.memref_slice %arg4[%add3A_568, %dma_wait3A_579] : memref<819200x64xf32, #tpu.memory_space<hbm>> -> memref<128x64xf32, #tpu.memory_space<hbm>>
          %dma_wait3A_581 = arith.constant 0 : i32
          %dma_wait3A_582 = arith.constant 0 : i32
          %dma_wait3A_583 = tpu.memref_slice %arg6[%dma_wait3A_569, %dma_wait3A_581, %dma_wait3A_582] : memref<8x128x64xf32, #tpu.memory_space<vmem>> -> memref<1x128x64xf32, #tpu.memory_space<vmem>>
          %dma_wait3A_584 = tpu.memref_squeeze %dma_wait3A_583 : memref<1x128x64xf32, #tpu.memory_space<vmem>> -> memref<128x64xf32, #tpu.memory_space<vmem>>
          tpu.wait_dma2 semaphore(%dma_wait3A_578 : memref<!tpu.dma_semaphore, #tpu.memory_space<semaphore_mem>>) src(%dma_wait3A_584 : memref<128x64xf32, #tpu.memory_space<vmem>>) dst(%dma_wait3A_580 : memref<128x64xf32, #tpu.memory_space<hbm>>)
        } else {
        }
        %dma_start3A_551 = arith.constant 2 : i32
        %dma_start3A_552 = arith.constant 2 : i32
        %dma_start3A_553 = arith.constant 0 : i32
        %dma_start3A_554 = arith.constant 0 : i32
        %dma_start3A_555 = tpu.memref_slice %arg6[%dma_start3A_551, %dma_start3A_553, %dma_start3A_554] : memref<8x128x64xf32, #tpu.memory_space<vmem>> -> memref<1x128x64xf32, #tpu.memory_space<vmem>>
        %dma_start3A_556 = tpu.memref_squeeze %dma_start3A_555 : memref<1x128x64xf32, #tpu.memory_space<vmem>> -> memref<128x64xf32, #tpu.memory_space<vmem>>
        %dma_start3A_557 = arith.constant 0 : i32
        %dma_start3A_558 = tpu.memref_slice %arg5[%add3A_499, %dma_start3A_557] : memref<200x128xi32, #tpu.memory_space<vmem>> -> memref<1x128xi32, #tpu.memory_space<vmem>>
        %dma_start3A_559 = tpu.memref_squeeze %dma_start3A_558 : memref<1x128xi32, #tpu.memory_space<vmem>> -> memref<128xi32, #tpu.memory_space<vmem>>
        %dma_start3A_560 = arith.constant 0 : i32
        %dma_start3A_561 = arith.constant 0 : i32
        %dma_start3A_562 = tpu.memref_slice %arg2[%dma_start3A_560, %dma_start3A_561] : memref<1000000x64xf32, #tpu.memory_space<hbm>> -> memref<1000000x64xf32, #tpu.memory_space<hbm>>
        %dma_start3A_563 = tpu.memref_slice %arg7[%dma_start3A_552] : memref<8x!tpu.dma_semaphore, #tpu.memory_space<semaphore_mem>> -> memref<1x!tpu.dma_semaphore, #tpu.memory_space<semaphore_mem>>
        %dma_start3A_564 = tpu.memref_squeeze %dma_start3A_563 : memref<1x!tpu.dma_semaphore, #tpu.memory_space<semaphore_mem>> -> memref<!tpu.dma_semaphore, #tpu.memory_space<semaphore_mem>>
        tpu.enqueue_indirect_dma source(%dma_start3A_562 : memref<1000000x64xf32, #tpu.memory_space<hbm>>) target(%dma_start3A_556 : memref<128x64xf32, #tpu.memory_space<vmem>>) offsets(%dma_start3A_559 : memref<128xi32, #tpu.memory_space<vmem>>) semaphore(%dma_start3A_564 : memref<!tpu.dma_semaphore, #tpu.memory_space<semaphore_mem>>)
      } else {
      }
      %add3A_505 = arith.constant 7 : i32
      %add3A_506 = arith.addi %add3A_213, %add3A_505 : i32
      %dma_wait3A_507 = arith.constant 7 : i32
      %dma_wait3A_508 = arith.constant 7 : i32
      %dma_wait3A_509 = arith.constant 0 : i32
      %dma_wait3A_510 = arith.constant 0 : i32
      %dma_wait3A_511 = tpu.memref_slice %arg6[%dma_wait3A_507, %dma_wait3A_509, %dma_wait3A_510] : memref<8x128x64xf32, #tpu.memory_space<vmem>> -> memref<1x128x64xf32, #tpu.memory_space<vmem>>
      %dma_wait3A_512 = tpu.memref_squeeze %dma_wait3A_511 : memref<1x128x64xf32, #tpu.memory_space<vmem>> -> memref<128x64xf32, #tpu.memory_space<vmem>>
      %dma_wait3A_513 = arith.constant 0 : i32
      %dma_wait3A_514 = tpu.memref_slice %arg5[%add3A_506, %dma_wait3A_513] : memref<200x128xi32, #tpu.memory_space<vmem>> -> memref<1x128xi32, #tpu.memory_space<vmem>>
      %dma_wait3A_515 = tpu.memref_squeeze %dma_wait3A_514 : memref<1x128xi32, #tpu.memory_space<vmem>> -> memref<128xi32, #tpu.memory_space<vmem>>
      %dma_wait3A_516 = arith.constant 0 : i32
      %dma_wait3A_517 = arith.constant 0 : i32
      %dma_wait3A_518 = tpu.memref_slice %arg2[%dma_wait3A_516, %dma_wait3A_517] : memref<1000000x64xf32, #tpu.memory_space<hbm>> -> memref<1000000x64xf32, #tpu.memory_space<hbm>>
      %dma_wait3A_519 = tpu.memref_slice %arg7[%dma_wait3A_508] : memref<8x!tpu.dma_semaphore, #tpu.memory_space<semaphore_mem>> -> memref<1x!tpu.dma_semaphore, #tpu.memory_space<semaphore_mem>>
      %dma_wait3A_520 = tpu.memref_squeeze %dma_wait3A_519 : memref<1x!tpu.dma_semaphore, #tpu.memory_space<semaphore_mem>> -> memref<!tpu.dma_semaphore, #tpu.memory_space<semaphore_mem>>
      tpu.wait_indirect_dma semaphore(%dma_wait3A_520 : memref<!tpu.dma_semaphore, #tpu.memory_space<semaphore_mem>>) src(%dma_wait3A_518 : memref<1000000x64xf32, #tpu.memory_space<hbm>>) dst(%dma_wait3A_512 : memref<128x64xf32, #tpu.memory_space<vmem>>)
      %mul3A_521 = arith.constant 128 : i32
      %mul3A_522 = arith.muli %add3A_506, %mul3A_521 : i32
      %add3A_523 = arith.addi %mul3A_2, %mul3A_522 : i32
      %dma_start3A_524 = arith.constant 7 : i32
      %dma_start3A_525 = arith.constant 7 : i32
      %dma_start3A_526 = arith.constant 0 : i32
      %dma_start3A_527 = arith.constant 0 : i32
      %dma_start3A_528 = tpu.memref_slice %arg6[%dma_start3A_524, %dma_start3A_526, %dma_start3A_527] : memref<8x128x64xf32, #tpu.memory_space<vmem>> -> memref<1x128x64xf32, #tpu.memory_space<vmem>>
      %dma_start3A_529 = tpu.memref_squeeze %dma_start3A_528 : memref<1x128x64xf32, #tpu.memory_space<vmem>> -> memref<128x64xf32, #tpu.memory_space<vmem>>
      %dma_start3A_530 = arith.constant 0 : i32
      %dma_start3A_531 = tpu.memref_slice %arg4[%add3A_523, %dma_start3A_530] : memref<819200x64xf32, #tpu.memory_space<hbm>> -> memref<128x64xf32, #tpu.memory_space<hbm>>
      %dma_start3A_532 = tpu.memref_slice %arg8[%dma_start3A_525] : memref<8x!tpu.dma_semaphore, #tpu.memory_space<semaphore_mem>> -> memref<1x!tpu.dma_semaphore, #tpu.memory_space<semaphore_mem>>
      %dma_start3A_533 = tpu.memref_squeeze %dma_start3A_532 : memref<1x!tpu.dma_semaphore, #tpu.memory_space<semaphore_mem>> -> memref<!tpu.dma_semaphore, #tpu.memory_space<semaphore_mem>>
      %dma_start3A_534 = arith.constant 0 : i32
      %dma_start3A_535 = tpu.memref_slice %arg4[%add3A_523, %dma_start3A_534] : memref<819200x64xf32, #tpu.memory_space<hbm>> -> memref<128x64xf32, #tpu.memory_space<hbm>>
      %dma_start3A_536 = arith.constant 0 : i32
      %dma_start3A_537 = arith.constant 0 : i32
      %dma_start3A_538 = tpu.memref_slice %arg6[%dma_start3A_524, %dma_start3A_536, %dma_start3A_537] : memref<8x128x64xf32, #tpu.memory_space<vmem>> -> memref<1x128x64xf32, #tpu.memory_space<vmem>>
      %dma_start3A_539 = tpu.memref_squeeze %dma_start3A_538 : memref<1x128x64xf32, #tpu.memory_space<vmem>> -> memref<128x64xf32, #tpu.memory_space<vmem>>
      tpu.enqueue_dma source(%dma_start3A_539 : memref<128x64xf32, #tpu.memory_space<vmem>>) target(%dma_start3A_535 : memref<128x64xf32, #tpu.memory_space<hbm>>) target_semaphore(%dma_start3A_533 : memref<!tpu.dma_semaphore, #tpu.memory_space<semaphore_mem>>)
      %add3A_540 = arith.constant 4 : i32
      %add3A_541 = arith.addi %add3A_506, %add3A_540 : i32
      %lt3A_542 = arith.constant 200 : i32
      %lt3A_543 = arith.cmpi slt, %add3A_541, %lt3A_542 : i32
      %convert_element_type3A_544 = arith.extui %lt3A_543 : i1 to i32
      %cond3A_545 = arith.constant 0 : i32
      %cond3A_546 = arith.cmpi ne, %convert_element_type3A_544, %cond3A_545 : i32
      scf.if %cond3A_546 {
        %ge3A = arith.constant 8 : i32
        %ge3A_547 = arith.cmpi sge, %add3A_541, %ge3A : i32
        %convert_element_type3A_548 = arith.extui %ge3A_547 : i1 to i32
        %cond3A_549 = arith.constant 0 : i32
        %cond3A_550 = arith.cmpi ne, %convert_element_type3A_548, %cond3A_549 : i32
        scf.if %cond3A_550 {
          %sub3A = arith.constant 8 : i32
          %sub3A_565 = arith.subi %add3A_541, %sub3A : i32
          %mul3A_566 = arith.constant 128 : i32
          %mul3A_567 = arith.muli %sub3A_565, %mul3A_566 : i32
          %add3A_568 = arith.addi %mul3A_2, %mul3A_567 : i32
          %dma_wait3A_569 = arith.constant 3 : i32
          %dma_wait3A_570 = arith.constant 3 : i32
          %dma_wait3A_571 = arith.constant 0 : i32
          %dma_wait3A_572 = arith.constant 0 : i32
          %dma_wait3A_573 = tpu.memref_slice %arg6[%dma_wait3A_569, %dma_wait3A_571, %dma_wait3A_572] : memref<8x128x64xf32, #tpu.memory_space<vmem>> -> memref<1x128x64xf32, #tpu.memory_space<vmem>>
          %dma_wait3A_574 = tpu.memref_squeeze %dma_wait3A_573 : memref<1x128x64xf32, #tpu.memory_space<vmem>> -> memref<128x64xf32, #tpu.memory_space<vmem>>
          %dma_wait3A_575 = arith.constant 0 : i32
          %dma_wait3A_576 = tpu.memref_slice %arg4[%add3A_568, %dma_wait3A_575] : memref<819200x64xf32, #tpu.memory_space<hbm>> -> memref<128x64xf32, #tpu.memory_space<hbm>>
          %dma_wait3A_577 = tpu.memref_slice %arg8[%dma_wait3A_570] : memref<8x!tpu.dma_semaphore, #tpu.memory_space<semaphore_mem>> -> memref<1x!tpu.dma_semaphore, #tpu.memory_space<semaphore_mem>>
          %dma_wait3A_578 = tpu.memref_squeeze %dma_wait3A_577 : memref<1x!tpu.dma_semaphore, #tpu.memory_space<semaphore_mem>> -> memref<!tpu.dma_semaphore, #tpu.memory_space<semaphore_mem>>
          %dma_wait3A_579 = arith.constant 0 : i32
          %dma_wait3A_580 = tpu.memref_slice %arg4[%add3A_568, %dma_wait3A_579] : memref<819200x64xf32, #tpu.memory_space<hbm>> -> memref<128x64xf32, #tpu.memory_space<hbm>>
          %dma_wait3A_581 = arith.constant 0 : i32
          %dma_wait3A_582 = arith.constant 0 : i32
          %dma_wait3A_583 = tpu.memref_slice %arg6[%dma_wait3A_569, %dma_wait3A_581, %dma_wait3A_582] : memref<8x128x64xf32, #tpu.memory_space<vmem>> -> memref<1x128x64xf32, #tpu.memory_space<vmem>>
          %dma_wait3A_584 = tpu.memref_squeeze %dma_wait3A_583 : memref<1x128x64xf32, #tpu.memory_space<vmem>> -> memref<128x64xf32, #tpu.memory_space<vmem>>
          tpu.wait_dma2 semaphore(%dma_wait3A_578 : memref<!tpu.dma_semaphore, #tpu.memory_space<semaphore_mem>>) src(%dma_wait3A_584 : memref<128x64xf32, #tpu.memory_space<vmem>>) dst(%dma_wait3A_580 : memref<128x64xf32, #tpu.memory_space<hbm>>)
        } else {
        }
        %dma_start3A_551 = arith.constant 3 : i32
        %dma_start3A_552 = arith.constant 3 : i32
        %dma_start3A_553 = arith.constant 0 : i32
        %dma_start3A_554 = arith.constant 0 : i32
        %dma_start3A_555 = tpu.memref_slice %arg6[%dma_start3A_551, %dma_start3A_553, %dma_start3A_554] : memref<8x128x64xf32, #tpu.memory_space<vmem>> -> memref<1x128x64xf32, #tpu.memory_space<vmem>>
        %dma_start3A_556 = tpu.memref_squeeze %dma_start3A_555 : memref<1x128x64xf32, #tpu.memory_space<vmem>> -> memref<128x64xf32, #tpu.memory_space<vmem>>
        %dma_start3A_557 = arith.constant 0 : i32
        %dma_start3A_558 = tpu.memref_slice %arg5[%add3A_541, %dma_start3A_557] : memref<200x128xi32, #tpu.memory_space<vmem>> -> memref<1x128xi32, #tpu.memory_space<vmem>>
        %dma_start3A_559 = tpu.memref_squeeze %dma_start3A_558 : memref<1x128xi32, #tpu.memory_space<vmem>> -> memref<128xi32, #tpu.memory_space<vmem>>
        %dma_start3A_560 = arith.constant 0 : i32
        %dma_start3A_561 = arith.constant 0 : i32
        %dma_start3A_562 = tpu.memref_slice %arg2[%dma_start3A_560, %dma_start3A_561] : memref<1000000x64xf32, #tpu.memory_space<hbm>> -> memref<1000000x64xf32, #tpu.memory_space<hbm>>
        %dma_start3A_563 = tpu.memref_slice %arg7[%dma_start3A_552] : memref<8x!tpu.dma_semaphore, #tpu.memory_space<semaphore_mem>> -> memref<1x!tpu.dma_semaphore, #tpu.memory_space<semaphore_mem>>
        %dma_start3A_564 = tpu.memref_squeeze %dma_start3A_563 : memref<1x!tpu.dma_semaphore, #tpu.memory_space<semaphore_mem>> -> memref<!tpu.dma_semaphore, #tpu.memory_space<semaphore_mem>>
        tpu.enqueue_indirect_dma source(%dma_start3A_562 : memref<1000000x64xf32, #tpu.memory_space<hbm>>) target(%dma_start3A_556 : memref<128x64xf32, #tpu.memory_space<vmem>>) offsets(%dma_start3A_559 : memref<128xi32, #tpu.memory_space<vmem>>) semaphore(%dma_start3A_564 : memref<!tpu.dma_semaphore, #tpu.memory_space<semaphore_mem>>)
      } else {
      }
    }
    %scan3A_65 = arith.constant 25 : i32
    %add3A_66 = arith.constant 24576 : i32
    %add3A_67 = arith.addi %mul3A_2, %add3A_66 : i32
    %dma_wait3A = arith.constant 0 : i32
    %dma_wait3A_68 = arith.constant 0 : i32
    %dma_wait3A_69 = arith.constant 0 : i32
    %dma_wait3A_70 = arith.constant 0 : i32
    %dma_wait3A_71 = tpu.memref_slice %arg6[%dma_wait3A, %dma_wait3A_69, %dma_wait3A_70] : memref<8x128x64xf32, #tpu.memory_space<vmem>> -> memref<1x128x64xf32, #tpu.memory_space<vmem>>
    %dma_wait3A_72 = tpu.memref_squeeze %dma_wait3A_71 : memref<1x128x64xf32, #tpu.memory_space<vmem>> -> memref<128x64xf32, #tpu.memory_space<vmem>>
    %dma_wait3A_73 = arith.constant 0 : i32
    %dma_wait3A_74 = tpu.memref_slice %arg4[%add3A_67, %dma_wait3A_73] : memref<819200x64xf32, #tpu.memory_space<hbm>> -> memref<128x64xf32, #tpu.memory_space<hbm>>
    %dma_wait3A_75 = tpu.memref_slice %arg8[%dma_wait3A_68] : memref<8x!tpu.dma_semaphore, #tpu.memory_space<semaphore_mem>> -> memref<1x!tpu.dma_semaphore, #tpu.memory_space<semaphore_mem>>
    %dma_wait3A_76 = tpu.memref_squeeze %dma_wait3A_75 : memref<1x!tpu.dma_semaphore, #tpu.memory_space<semaphore_mem>> -> memref<!tpu.dma_semaphore, #tpu.memory_space<semaphore_mem>>
    %dma_wait3A_77 = arith.constant 0 : i32
    %dma_wait3A_78 = tpu.memref_slice %arg4[%add3A_67, %dma_wait3A_77] : memref<819200x64xf32, #tpu.memory_space<hbm>> -> memref<128x64xf32, #tpu.memory_space<hbm>>
    %dma_wait3A_79 = arith.constant 0 : i32
    %dma_wait3A_80 = arith.constant 0 : i32
    %dma_wait3A_81 = tpu.memref_slice %arg6[%dma_wait3A, %dma_wait3A_79, %dma_wait3A_80] : memref<8x128x64xf32, #tpu.memory_space<vmem>> -> memref<1x128x64xf32, #tpu.memory_space<vmem>>
    %dma_wait3A_82 = tpu.memref_squeeze %dma_wait3A_81 : memref<1x128x64xf32, #tpu.memory_space<vmem>> -> memref<128x64xf32, #tpu.memory_space<vmem>>
    tpu.wait_dma2 semaphore(%dma_wait3A_76 : memref<!tpu.dma_semaphore, #tpu.memory_space<semaphore_mem>>) src(%dma_wait3A_82 : memref<128x64xf32, #tpu.memory_space<vmem>>) dst(%dma_wait3A_78 : memref<128x64xf32, #tpu.memory_space<hbm>>)
    %add3A_83 = arith.constant 24704 : i32
    %add3A_84 = arith.addi %mul3A_2, %add3A_83 : i32
    %dma_wait3A_85 = arith.constant 1 : i32
    %dma_wait3A_86 = arith.constant 1 : i32
    %dma_wait3A_87 = arith.constant 0 : i32
    %dma_wait3A_88 = arith.constant 0 : i32
    %dma_wait3A_89 = tpu.memref_slice %arg6[%dma_wait3A_85, %dma_wait3A_87, %dma_wait3A_88] : memref<8x128x64xf32, #tpu.memory_space<vmem>> -> memref<1x128x64xf32, #tpu.memory_space<vmem>>
    %dma_wait3A_90 = tpu.memref_squeeze %dma_wait3A_89 : memref<1x128x64xf32, #tpu.memory_space<vmem>> -> memref<128x64xf32, #tpu.memory_space<vmem>>
    %dma_wait3A_91 = arith.constant 0 : i32
    %dma_wait3A_92 = tpu.memref_slice %arg4[%add3A_84, %dma_wait3A_91] : memref<819200x64xf32, #tpu.memory_space<hbm>> -> memref<128x64xf32, #tpu.memory_space<hbm>>
    %dma_wait3A_93 = tpu.memref_slice %arg8[%dma_wait3A_86] : memref<8x!tpu.dma_semaphore, #tpu.memory_space<semaphore_mem>> -> memref<1x!tpu.dma_semaphore, #tpu.memory_space<semaphore_mem>>
    %dma_wait3A_94 = tpu.memref_squeeze %dma_wait3A_93 : memref<1x!tpu.dma_semaphore, #tpu.memory_space<semaphore_mem>> -> memref<!tpu.dma_semaphore, #tpu.memory_space<semaphore_mem>>
    %dma_wait3A_95 = arith.constant 0 : i32
    %dma_wait3A_96 = tpu.memref_slice %arg4[%add3A_84, %dma_wait3A_95] : memref<819200x64xf32, #tpu.memory_space<hbm>> -> memref<128x64xf32, #tpu.memory_space<hbm>>
    %dma_wait3A_97 = arith.constant 0 : i32
    %dma_wait3A_98 = arith.constant 0 : i32
    %dma_wait3A_99 = tpu.memref_slice %arg6[%dma_wait3A_85, %dma_wait3A_97, %dma_wait3A_98] : memref<8x128x64xf32, #tpu.memory_space<vmem>> -> memref<1x128x64xf32, #tpu.memory_space<vmem>>
    %dma_wait3A_100 = tpu.memref_squeeze %dma_wait3A_99 : memref<1x128x64xf32, #tpu.memory_space<vmem>> -> memref<128x64xf32, #tpu.memory_space<vmem>>
    tpu.wait_dma2 semaphore(%dma_wait3A_94 : memref<!tpu.dma_semaphore, #tpu.memory_space<semaphore_mem>>) src(%dma_wait3A_100 : memref<128x64xf32, #tpu.memory_space<vmem>>) dst(%dma_wait3A_96 : memref<128x64xf32, #tpu.memory_space<hbm>>)
    %add3A_101 = arith.constant 24832 : i32
    %add3A_102 = arith.addi %mul3A_2, %add3A_101 : i32
    %dma_wait3A_103 = arith.constant 2 : i32
    %dma_wait3A_104 = arith.constant 2 : i32
    %dma_wait3A_105 = arith.constant 0 : i32
    %dma_wait3A_106 = arith.constant 0 : i32
    %dma_wait3A_107 = tpu.memref_slice %arg6[%dma_wait3A_103, %dma_wait3A_105, %dma_wait3A_106] : memref<8x128x64xf32, #tpu.memory_space<vmem>> -> memref<1x128x64xf32, #tpu.memory_space<vmem>>
    %dma_wait3A_108 = tpu.memref_squeeze %dma_wait3A_107 : memref<1x128x64xf32, #tpu.memory_space<vmem>> -> memref<128x64xf32, #tpu.memory_space<vmem>>
    %dma_wait3A_109 = arith.constant 0 : i32
    %dma_wait3A_110 = tpu.memref_slice %arg4[%add3A_102, %dma_wait3A_109] : memref<819200x64xf32, #tpu.memory_space<hbm>> -> memref<128x64xf32, #tpu.memory_space<hbm>>
    %dma_wait3A_111 = tpu.memref_slice %arg8[%dma_wait3A_104] : memref<8x!tpu.dma_semaphore, #tpu.memory_space<semaphore_mem>> -> memref<1x!tpu.dma_semaphore, #tpu.memory_space<semaphore_mem>>
    %dma_wait3A_112 = tpu.memref_squeeze %dma_wait3A_111 : memref<1x!tpu.dma_semaphore, #tpu.memory_space<semaphore_mem>> -> memref<!tpu.dma_semaphore, #tpu.memory_space<semaphore_mem>>
    %dma_wait3A_113 = arith.constant 0 : i32
    %dma_wait3A_114 = tpu.memref_slice %arg4[%add3A_102, %dma_wait3A_113] : memref<819200x64xf32, #tpu.memory_space<hbm>> -> memref<128x64xf32, #tpu.memory_space<hbm>>
    %dma_wait3A_115 = arith.constant 0 : i32
    %dma_wait3A_116 = arith.constant 0 : i32
    %dma_wait3A_117 = tpu.memref_slice %arg6[%dma_wait3A_103, %dma_wait3A_115, %dma_wait3A_116] : memref<8x128x64xf32, #tpu.memory_space<vmem>> -> memref<1x128x64xf32, #tpu.memory_space<vmem>>
    %dma_wait3A_118 = tpu.memref_squeeze %dma_wait3A_117 : memref<1x128x64xf32, #tpu.memory_space<vmem>> -> memref<128x64xf32, #tpu.memory_space<vmem>>
    tpu.wait_dma2 semaphore(%dma_wait3A_112 : memref<!tpu.dma_semaphore, #tpu.memory_space<semaphore_mem>>) src(%dma_wait3A_118 : memref<128x64xf32, #tpu.memory_space<vmem>>) dst(%dma_wait3A_114 : memref<128x64xf32, #tpu.memory_space<hbm>>)
    %add3A_119 = arith.constant 24960 : i32
    %add3A_120 = arith.addi %mul3A_2, %add3A_119 : i32
    %dma_wait3A_121 = arith.constant 3 : i32
    %dma_wait3A_122 = arith.constant 3 : i32
    %dma_wait3A_123 = arith.constant 0 : i32
    %dma_wait3A_124 = arith.constant 0 : i32
    %dma_wait3A_125 = tpu.memref_slice %arg6[%dma_wait3A_121, %dma_wait3A_123, %dma_wait3A_124] : memref<8x128x64xf32, #tpu.memory_space<vmem>> -> memref<1x128x64xf32, #tpu.memory_space<vmem>>
    %dma_wait3A_126 = tpu.memref_squeeze %dma_wait3A_125 : memref<1x128x64xf32, #tpu.memory_space<vmem>> -> memref<128x64xf32, #tpu.memory_space<vmem>>
    %dma_wait3A_127 = arith.constant 0 : i32
    %dma_wait3A_128 = tpu.memref_slice %arg4[%add3A_120, %dma_wait3A_127] : memref<819200x64xf32, #tpu.memory_space<hbm>> -> memref<128x64xf32, #tpu.memory_space<hbm>>
    %dma_wait3A_129 = tpu.memref_slice %arg8[%dma_wait3A_122] : memref<8x!tpu.dma_semaphore, #tpu.memory_space<semaphore_mem>> -> memref<1x!tpu.dma_semaphore, #tpu.memory_space<semaphore_mem>>
    %dma_wait3A_130 = tpu.memref_squeeze %dma_wait3A_129 : memref<1x!tpu.dma_semaphore, #tpu.memory_space<semaphore_mem>> -> memref<!tpu.dma_semaphore, #tpu.memory_space<semaphore_mem>>
    %dma_wait3A_131 = arith.constant 0 : i32
    %dma_wait3A_132 = tpu.memref_slice %arg4[%add3A_120, %dma_wait3A_131] : memref<819200x64xf32, #tpu.memory_space<hbm>> -> memref<128x64xf32, #tpu.memory_space<hbm>>
    %dma_wait3A_133 = arith.constant 0 : i32
    %dma_wait3A_134 = arith.constant 0 : i32
    %dma_wait3A_135 = tpu.memref_slice %arg6[%dma_wait3A_121, %dma_wait3A_133, %dma_wait3A_134] : memref<8x128x64xf32, #tpu.memory_space<vmem>> -> memref<1x128x64xf32, #tpu.memory_space<vmem>>
    %dma_wait3A_136 = tpu.memref_squeeze %dma_wait3A_135 : memref<1x128x64xf32, #tpu.memory_space<vmem>> -> memref<128x64xf32, #tpu.memory_space<vmem>>
    tpu.wait_dma2 semaphore(%dma_wait3A_130 : memref<!tpu.dma_semaphore, #tpu.memory_space<semaphore_mem>>) src(%dma_wait3A_136 : memref<128x64xf32, #tpu.memory_space<vmem>>) dst(%dma_wait3A_132 : memref<128x64xf32, #tpu.memory_space<hbm>>)
    %add3A_137 = arith.constant 25088 : i32
    %add3A_138 = arith.addi %mul3A_2, %add3A_137 : i32
    %dma_wait3A_139 = arith.constant 4 : i32
    %dma_wait3A_140 = arith.constant 4 : i32
    %dma_wait3A_141 = arith.constant 0 : i32
    %dma_wait3A_142 = arith.constant 0 : i32
    %dma_wait3A_143 = tpu.memref_slice %arg6[%dma_wait3A_139, %dma_wait3A_141, %dma_wait3A_142] : memref<8x128x64xf32, #tpu.memory_space<vmem>> -> memref<1x128x64xf32, #tpu.memory_space<vmem>>
    %dma_wait3A_144 = tpu.memref_squeeze %dma_wait3A_143 : memref<1x128x64xf32, #tpu.memory_space<vmem>> -> memref<128x64xf32, #tpu.memory_space<vmem>>
    %dma_wait3A_145 = arith.constant 0 : i32
    %dma_wait3A_146 = tpu.memref_slice %arg4[%add3A_138, %dma_wait3A_145] : memref<819200x64xf32, #tpu.memory_space<hbm>> -> memref<128x64xf32, #tpu.memory_space<hbm>>
    %dma_wait3A_147 = tpu.memref_slice %arg8[%dma_wait3A_140] : memref<8x!tpu.dma_semaphore, #tpu.memory_space<semaphore_mem>> -> memref<1x!tpu.dma_semaphore, #tpu.memory_space<semaphore_mem>>
    %dma_wait3A_148 = tpu.memref_squeeze %dma_wait3A_147 : memref<1x!tpu.dma_semaphore, #tpu.memory_space<semaphore_mem>> -> memref<!tpu.dma_semaphore, #tpu.memory_space<semaphore_mem>>
    %dma_wait3A_149 = arith.constant 0 : i32
    %dma_wait3A_150 = tpu.memref_slice %arg4[%add3A_138, %dma_wait3A_149] : memref<819200x64xf32, #tpu.memory_space<hbm>> -> memref<128x64xf32, #tpu.memory_space<hbm>>
    %dma_wait3A_151 = arith.constant 0 : i32
    %dma_wait3A_152 = arith.constant 0 : i32
    %dma_wait3A_153 = tpu.memref_slice %arg6[%dma_wait3A_139, %dma_wait3A_151, %dma_wait3A_152] : memref<8x128x64xf32, #tpu.memory_space<vmem>> -> memref<1x128x64xf32, #tpu.memory_space<vmem>>
    %dma_wait3A_154 = tpu.memref_squeeze %dma_wait3A_153 : memref<1x128x64xf32, #tpu.memory_space<vmem>> -> memref<128x64xf32, #tpu.memory_space<vmem>>
    tpu.wait_dma2 semaphore(%dma_wait3A_148 : memref<!tpu.dma_semaphore, #tpu.memory_space<semaphore_mem>>) src(%dma_wait3A_154 : memref<128x64xf32, #tpu.memory_space<vmem>>) dst(%dma_wait3A_150 : memref<128x64xf32, #tpu.memory_space<hbm>>)
    %add3A_155 = arith.constant 25216 : i32
    %add3A_156 = arith.addi %mul3A_2, %add3A_155 : i32
    %dma_wait3A_157 = arith.constant 5 : i32
    %dma_wait3A_158 = arith.constant 5 : i32
    %dma_wait3A_159 = arith.constant 0 : i32
    %dma_wait3A_160 = arith.constant 0 : i32
    %dma_wait3A_161 = tpu.memref_slice %arg6[%dma_wait3A_157, %dma_wait3A_159, %dma_wait3A_160] : memref<8x128x64xf32, #tpu.memory_space<vmem>> -> memref<1x128x64xf32, #tpu.memory_space<vmem>>
    %dma_wait3A_162 = tpu.memref_squeeze %dma_wait3A_161 : memref<1x128x64xf32, #tpu.memory_space<vmem>> -> memref<128x64xf32, #tpu.memory_space<vmem>>
    %dma_wait3A_163 = arith.constant 0 : i32
    %dma_wait3A_164 = tpu.memref_slice %arg4[%add3A_156, %dma_wait3A_163] : memref<819200x64xf32, #tpu.memory_space<hbm>> -> memref<128x64xf32, #tpu.memory_space<hbm>>
    %dma_wait3A_165 = tpu.memref_slice %arg8[%dma_wait3A_158] : memref<8x!tpu.dma_semaphore, #tpu.memory_space<semaphore_mem>> -> memref<1x!tpu.dma_semaphore, #tpu.memory_space<semaphore_mem>>
    %dma_wait3A_166 = tpu.memref_squeeze %dma_wait3A_165 : memref<1x!tpu.dma_semaphore, #tpu.memory_space<semaphore_mem>> -> memref<!tpu.dma_semaphore, #tpu.memory_space<semaphore_mem>>
    %dma_wait3A_167 = arith.constant 0 : i32
    %dma_wait3A_168 = tpu.memref_slice %arg4[%add3A_156, %dma_wait3A_167] : memref<819200x64xf32, #tpu.memory_space<hbm>> -> memref<128x64xf32, #tpu.memory_space<hbm>>
    %dma_wait3A_169 = arith.constant 0 : i32
    %dma_wait3A_170 = arith.constant 0 : i32
    %dma_wait3A_171 = tpu.memref_slice %arg6[%dma_wait3A_157, %dma_wait3A_169, %dma_wait3A_170] : memref<8x128x64xf32, #tpu.memory_space<vmem>> -> memref<1x128x64xf32, #tpu.memory_space<vmem>>
    %dma_wait3A_172 = tpu.memref_squeeze %dma_wait3A_171 : memref<1x128x64xf32, #tpu.memory_space<vmem>> -> memref<128x64xf32, #tpu.memory_space<vmem>>
    tpu.wait_dma2 semaphore(%dma_wait3A_166 : memref<!tpu.dma_semaphore, #tpu.memory_space<semaphore_mem>>) src(%dma_wait3A_172 : memref<128x64xf32, #tpu.memory_space<vmem>>) dst(%dma_wait3A_168 : memref<128x64xf32, #tpu.memory_space<hbm>>)
    %add3A_173 = arith.constant 25344 : i32
    %add3A_174 = arith.addi %mul3A_2, %add3A_173 : i32
    %dma_wait3A_175 = arith.constant 6 : i32
    %dma_wait3A_176 = arith.constant 6 : i32
    %dma_wait3A_177 = arith.constant 0 : i32
    %dma_wait3A_178 = arith.constant 0 : i32
    %dma_wait3A_179 = tpu.memref_slice %arg6[%dma_wait3A_175, %dma_wait3A_177, %dma_wait3A_178] : memref<8x128x64xf32, #tpu.memory_space<vmem>> -> memref<1x128x64xf32, #tpu.memory_space<vmem>>
    %dma_wait3A_180 = tpu.memref_squeeze %dma_wait3A_179 : memref<1x128x64xf32, #tpu.memory_space<vmem>> -> memref<128x64xf32, #tpu.memory_space<vmem>>
    %dma_wait3A_181 = arith.constant 0 : i32
    %dma_wait3A_182 = tpu.memref_slice %arg4[%add3A_174, %dma_wait3A_181] : memref<819200x64xf32, #tpu.memory_space<hbm>> -> memref<128x64xf32, #tpu.memory_space<hbm>>
    %dma_wait3A_183 = tpu.memref_slice %arg8[%dma_wait3A_176] : memref<8x!tpu.dma_semaphore, #tpu.memory_space<semaphore_mem>> -> memref<1x!tpu.dma_semaphore, #tpu.memory_space<semaphore_mem>>
    %dma_wait3A_184 = tpu.memref_squeeze %dma_wait3A_183 : memref<1x!tpu.dma_semaphore, #tpu.memory_space<semaphore_mem>> -> memref<!tpu.dma_semaphore, #tpu.memory_space<semaphore_mem>>
    %dma_wait3A_185 = arith.constant 0 : i32
    %dma_wait3A_186 = tpu.memref_slice %arg4[%add3A_174, %dma_wait3A_185] : memref<819200x64xf32, #tpu.memory_space<hbm>> -> memref<128x64xf32, #tpu.memory_space<hbm>>
    %dma_wait3A_187 = arith.constant 0 : i32
    %dma_wait3A_188 = arith.constant 0 : i32
    %dma_wait3A_189 = tpu.memref_slice %arg6[%dma_wait3A_175, %dma_wait3A_187, %dma_wait3A_188] : memref<8x128x64xf32, #tpu.memory_space<vmem>> -> memref<1x128x64xf32, #tpu.memory_space<vmem>>
    %dma_wait3A_190 = tpu.memref_squeeze %dma_wait3A_189 : memref<1x128x64xf32, #tpu.memory_space<vmem>> -> memref<128x64xf32, #tpu.memory_space<vmem>>
    tpu.wait_dma2 semaphore(%dma_wait3A_184 : memref<!tpu.dma_semaphore, #tpu.memory_space<semaphore_mem>>) src(%dma_wait3A_190 : memref<128x64xf32, #tpu.memory_space<vmem>>) dst(%dma_wait3A_186 : memref<128x64xf32, #tpu.memory_space<hbm>>)
    %add3A_191 = arith.constant 25472 : i32
    %add3A_192 = arith.addi %mul3A_2, %add3A_191 : i32
    %dma_wait3A_193 = arith.constant 7 : i32
    %dma_wait3A_194 = arith.constant 7 : i32
    %dma_wait3A_195 = arith.constant 0 : i32
    %dma_wait3A_196 = arith.constant 0 : i32
    %dma_wait3A_197 = tpu.memref_slice %arg6[%dma_wait3A_193, %dma_wait3A_195, %dma_wait3A_196] : memref<8x128x64xf32, #tpu.memory_space<vmem>> -> memref<1x128x64xf32, #tpu.memory_space<vmem>>
    %dma_wait3A_198 = tpu.memref_squeeze %dma_wait3A_197 : memref<1x128x64xf32, #tpu.memory_space<vmem>> -> memref<128x64xf32, #tpu.memory_space<vmem>>
    %dma_wait3A_199 = arith.constant 0 : i32
    %dma_wait3A_200 = tpu.memref_slice %arg4[%add3A_192, %dma_wait3A_199] : memref<819200x64xf32, #tpu.memory_space<hbm>> -> memref<128x64xf32, #tpu.memory_space<hbm>>
    %dma_wait3A_201 = tpu.memref_slice %arg8[%dma_wait3A_194] : memref<8x!tpu.dma_semaphore, #tpu.memory_space<semaphore_mem>> -> memref<1x!tpu.dma_semaphore, #tpu.memory_space<semaphore_mem>>
    %dma_wait3A_202 = tpu.memref_squeeze %dma_wait3A_201 : memref<1x!tpu.dma_semaphore, #tpu.memory_space<semaphore_mem>> -> memref<!tpu.dma_semaphore, #tpu.memory_space<semaphore_mem>>
    %dma_wait3A_203 = arith.constant 0 : i32
    %dma_wait3A_204 = tpu.memref_slice %arg4[%add3A_192, %dma_wait3A_203] : memref<819200x64xf32, #tpu.memory_space<hbm>> -> memref<128x64xf32, #tpu.memory_space<hbm>>
    %dma_wait3A_205 = arith.constant 0 : i32
    %dma_wait3A_206 = arith.constant 0 : i32
    %dma_wait3A_207 = tpu.memref_slice %arg6[%dma_wait3A_193, %dma_wait3A_205, %dma_wait3A_206] : memref<8x128x64xf32, #tpu.memory_space<vmem>> -> memref<1x128x64xf32, #tpu.memory_space<vmem>>
    %dma_wait3A_208 = tpu.memref_squeeze %dma_wait3A_207 : memref<1x128x64xf32, #tpu.memory_space<vmem>> -> memref<128x64xf32, #tpu.memory_space<vmem>>
    tpu.wait_dma2 semaphore(%dma_wait3A_202 : memref<!tpu.dma_semaphore, #tpu.memory_space<semaphore_mem>>) src(%dma_wait3A_208 : memref<128x64xf32, #tpu.memory_space<vmem>>) dst(%dma_wait3A_204 : memref<128x64xf32, #tpu.memory_space<hbm>>)
    return
  }
}

</mosaic_0001>

<sc_bundles>
// kernel: _emb_lookup.3.cloned.1.call-start
scs
__scs_entry_jumppad:
0x0: {  	(pc) =	sbr.rel $0x88, $3  }
0x1: {  	(tag) =	ssettag $0x0;
	lr =	simm.s32 $0x1  }
0x2: {  	[smem:$0x3F9F] =	sst lr;
	_ =	strace $0xD0000000  }
0x3: {  	_ = 	snop  }
0x4: {  	_ = 	snop  }
0x5: {  	_ = 	snop  }
0x6: {  	_ = 	snop  }
0x7: {  	_ = 	snop  }
__scs_overlays_trampoline_lowered:
0x8: {  	[smem:$0x3FAE] =	sst s0  }
0x9: {  	[smem:$0x3FAF] =	sst s1  }
0xa: {  	[smem:$0x3FB0] =	sst s2  }
0xb: {  	[smem:$0x3FB1] =	sst s3  }
0xc: {  	[smem:$0x3FB2] =	sst s4  }
0xd: {  	[smem:$0x3FB3] =	sst s5  }
0xe: {  	[smem:$0x3FB4] =	sst s6  }
0xf: {  	[smem:$0x3FB5] =	sst s7  }
0x10: {  	[smem:$0x3FB6] =	sst s8  }
0x11: {  	[smem:$0x3FB7] =	sst s9;
	s0 =	simm.s32 @!p0 $0x0  }
0x12: {  	s1 =	sld [smem:$0x3F9D];
	s0 =	simm.s32 @p0 $0x1  }
0x13: {  	[smem:$0x3FB8] =	sst s0;
	s0 =	simm.s32 @!p1 $0x0  }
0x14: {  	s2 =	sld [smem:$0x3F9C];
	s0 =	simm.s32 @p1 $0x1  }
0x15: {  	[smem:$0x3FB9] =	sst s0;
	s0 =	simm.s32 @!p2 $0x0  }
0x16: {  	s3 =	sld [smem:$0x3FDB];
	s0 =	simm.s32 @p2 $0x1  }
0x17: {  	s4 =	simm.s32 $0x1BF5;
	[smem:$0x3FBB] =	sst s0  }
0x18: {  	s0 =	sld [smem:$0x3F9E];
	_ =	swait.ge [sflag:s4], $0x0  }
0x19: {  	s7 =	sld [smem:$0x3F9F]  }
0x1a: {  	s8 =	sadd.s32 $0xFFFFE003, lr  }
0x1b: {  	s9 =	sadd.s32 $0xFFFFFEF7, lr;
	s5 =	simm.s32 $0xFFFFFFFF;
	p2 =	slt.u32 s8, $0xFFFFF086  }
0x1c: {  	p1 =	slt.u32 s9, $0xF7A;
	s5 =	simm.s32 @!p2 $0x0  }
0x1d: {  	s5 =	simm.s32 @p1 $0x1;
	p0 =	seq.s32 s7, s2  }
0x1e: {  	s7 =	smul.u32 @!p0 $0xF7A, s2;
	p2 =	seq.s32 @!p0 s5, $0x0  }
0x1f: {  	s9 =	smul.u32 $0xF7A, s1;
	s8 =	simm.s32 @!p0 $0x1BF5;
	p2 =	por !p2, p0  }
0x20: {  	[sflag:s8] =	ssyncset.s32 @!p0 $0xFFFFF086;
	s6 =	sadd.s32 @!p0 s3, s7;
	s7 =	simm.s32 @!p0 $0x108  }
0x21: {  	s3 =	sadd.s32 s3, s9;
	s6 =	sadd.s32 @!p0 $0x88, s6;
	s7 =	simm.s32 @p2 $0x1082  }
0x22: {  	[simem:s7], [sflag:s8] =	dma.local @!p0 [hbm:s6], $0xF7A  }
0x23: {  	s9 =	sor.u32 $0xD0000000, s2;
	s6 =	simm.s32 $0x108;
	_ =	swait.ge @!p0 [sflag:s8], $0x0  }
0x24: {  	s3 =	sadd.s32 $0x88, s3;
	s6 =	simm.s32 @!p1 $0x1082;
	[sflag:s4] =	ssyncset.s32 $0xFFFFF086  }
0x25: {  	[simem:s6], [sflag:s4] =	dma.local [hbm:s3], $0xF7A  }
0x26: {  	[smem:$0x3F9F] =	sst s1;
	(tag) =	ssettag s2;
	_ =	strace s9  }
0x27: {  	s1 =	sld [smem:$0x3FAF]  }
0x28: {  	s2 =	sld [smem:$0x3FB0]  }
0x29: {  	s4 =	sld [smem:$0x3FB2]  }
0x2a: {  	p0 =	seq.s32 s5, $0x0;
	s5 =	sld [smem:$0x3FB3]  }
0x2b: {  	s6 =	sld [smem:$0x3FB4]  }
0x2c: {  	s7 =	sld [smem:$0x3FB5]  }
0x2d: {  	s3 =	simm.s32 $0x108;
	s8 =	sld [smem:$0x3FB6]  }
0x2e: {  	s3 =	simm.s32 @!p0 $0x1082;
	s9 =	sld [smem:$0x3FB7]  }
0x2f: {  	lr =	sadd.s32 s0, s3;
	s0 =	sld [smem:$0x3FAE]  }
0x30: {  	s3 =	sld [smem:$0x3FB1]  }
0x31: {  	[smem:$0x3FBA] =	sst s10  }
0x32: {  	s10 =	sld [smem:$0x3FB8];
	_ =	sdelay $0x3  }
0x33: {  	p0 =	seq.s32 s10, $0x1;
	s10 =	sld [smem:$0x3FBA];
	_ =	sdelay $0x3  }
0x34: {  	[smem:$0x3FBA] =	sst s10  }
0x35: {  	s10 =	sld [smem:$0x3FB9];
	_ =	sdelay $0x3  }
0x36: {  	p1 =	seq.s32 s10, $0x1;
	s10 =	sld [smem:$0x3FBA];
	_ =	sdelay $0x3  }
0x37: {  	[smem:$0x3FBA] =	sst s10  }
0x38: {  	s10 =	sld [smem:$0x3FBB]  }
0x39: {  	_ = 	snop;
	(pc) =	sbr.ind lr, $3  }
0x3a: {  	_ = 	snop  }
0x3b: {  	_ = 	snop  }
0x3c: {  	p2 =	seq.s32 s10, $0x1;
	s10 =	sld [smem:$0x3FBA]  }
0x3d: {  	_ =	shalt  }
0x3e: {  	_ =	shalt  }
0x3f: {  	_ =	shalt  }
0x40: {  	_ =	shalt  }
0x41: {  	_ =	shalt  }
0x42: {  	_ =	shalt  }
0x43: {  	_ =	shalt  }
0x44: {  	_ =	shalt  }
0x45: {  	_ =	shalt  }
0x46: {  	_ =	shalt  }
0x47: {  	_ =	shalt  }
0x48: {  	_ =	shalt  }
0x49: {  	_ =	shalt  }
0x4a: {  	_ =	shalt  }
0x4b: {  	_ =	shalt  }
0x4c: {  	_ =	shalt  }
0x4d: {  	_ =	shalt  }
0x4e: {  	_ =	shalt  }
0x4f: {  	_ =	shalt  }
0x50: {  	_ =	shalt  }
0x51: {  	_ =	shalt  }
0x52: {  	_ =	shalt  }
0x53: {  	_ =	shalt  }
0x54: {  	_ =	shalt  }
0x55: {  	_ =	shalt  }
0x56: {  	_ =	shalt  }
0x57: {  	_ =	shalt  }
0x58: {  	_ =	shalt  }
0x59: {  	_ =	shalt  }
0x5a: {  	_ =	shalt  }
0x5b: {  	_ =	shalt  }
0x5c: {  	_ =	shalt  }
0x5d: {  	_ =	shalt  }
0x5e: {  	_ =	shalt  }
0x5f: {  	_ =	shalt  }
0x60: {  	_ =	shalt  }
0x61: {  	_ =	shalt  }
0x62: {  	_ =	shalt  }
0x63: {  	_ =	shalt  }
0x64: {  	_ =	shalt  }
0x65: {  	_ =	shalt  }
0x66: {  	_ =	shalt  }
0x67: {  	_ =	shalt  }
0x68: {  	_ =	shalt  }
0x69: {  	_ =	shalt  }
0x6a: {  	_ =	shalt  }
0x6b: {  	_ =	shalt  }
0x6c: {  	_ =	shalt  }
0x6d: {  	_ =	shalt  }
0x6e: {  	_ =	shalt  }
0x6f: {  	_ =	shalt  }
0x70: {  	_ =	shalt  }
0x71: {  	_ =	shalt  }
0x72: {  	_ =	shalt  }
0x73: {  	_ =	shalt  }
0x74: {  	_ =	shalt  }
0x75: {  	_ =	shalt  }
0x76: {  	_ =	shalt  }
0x77: {  	_ =	shalt  }
0x78: {  	_ =	shalt  }
0x79: {  	_ =	shalt  }
0x7a: {  	_ =	shalt  }
0x7b: {  	_ =	shalt  }
0x7c: {  	_ =	shalt  }
0x7d: {  	_ =	shalt  }
0x7e: {  	_ =	shalt  }
0x7f: {  	_ =	shalt  }
0x80: {  	_ =	shalt  }
0x81: {  	_ =	shalt  }
0x82: {  	_ =	shalt  }
0x83: {  	_ =	shalt  }
0x84: {  	_ =	shalt  }
0x85: {  	_ =	shalt  }
0x86: {  	_ =	shalt  }
0x87: {  	_ =	shalt  }
.Lfunc_end0:
.L_simem_size_0:
called_computation.1_lowered:
.L_overlay_start_0:
0x88: {  	s2 =	sld [smem:$0x3FD9]  }
0x89: {  	s3 =	sld [smem:$0x3FFE];
	_ =	sdelay $0x1  }
0x8a: {  	s1 =	srdreg.scid  }
0x8b: {  	s0 =	sand.u32 $0x1, s1  }
0x8c: {  	s17 =	sshll.u32 s0, $0xA;
	s2 =	sadd.s32 s3, s2  }
0x8d: {  	s2 =	sadd.s32 s2, s17  }
0x8e: {  	[smem:$0x3FC6] =	sst s2  }
0x8f: {  	_ = 	snop  }
0x90: {  	s2 =	sld [smem:$0x3FC8]  }
0x91: {  	s18 =	sld [smem:$0x3FD0];
	(tm) =	ssettm $0x1  }
0x92: {  	s4 =	sld [smem:$0x3FFB];
	_ =	sdelay $0x3  }
0x93: {  	_ =	strace s4  }
0x94: {  	s4 =	sld [smem:$0x3FFC];
	_ =	sdelay $0x3  }
0x95: {  	_ =	strace s4  }
0x96: {  	s4 =	sld [smem:$0x3FFD];
	_ =	sdelay $0x3  }
0x97: {  	_ =	strace s4  }
0x98: {  	_ =	strace $0x8FFFFFFF  }
0x99: {  	s19 =	sld [smem:$0x3FDB];
	_ =	sdelay $0x1  }
0x9a: {  	s5 =	simm.s32 $_scs_section_size  }
0x9b: {  	s6 =	simm.s32 $_size__tile_overlayer_lowered;
	s7 =	simm.s32 $_tile_overlayer_lowered  }
0x9c: {  	s22 =	simm.s32 $0x1BFF;
	s21 =	sshll.u32 s7, $0x1;
	s4 =	sadd.s32 s5, s19  }
0x9d: {  	s8 =	simm.s32 $0x0;
	s20 =	sshll.u32 s6, $0x1;
	s6 =	sadd.s32 s21, s4  }
0x9e: {  	[timem:s8], [sflag:s22] =	dma.local [hbm:s6], s20  }
0x9f: {  	_ =	swait.ge [sflag:s22], s20  }
0xa0: {  	s5 =	ssub.s32 $0x0, s20;
	[sflag:s22] =	ssyncset.done $0x0  }
0xa1: {  	[sflag:s22] =	ssyncadd.s32 s5;
	_ =	sdelay $0x1  }
0xa2: {  	s23 =	simm.s32 $0x1B8B  }
0xa3: {  	_ =	swait.ge [sflag:s23], $0x1  }
0xa4: {  	[sflag:s23] =	ssyncset.done $0x0  }
0xa5: {  	s25 =	simm.s32 $0x1B8E;
	s24 =	sld [smem:$0x3FFE];
	[sflag:s23] =	ssyncadd.s32 $0xFFFFFFFF  }
0xa6: {  	s26 =	simm.s32 $execute0_lowered;
	[smem:$0x3FD2] =	sst s25  }
0xa7: {  	s6 =	sshll.u32 s26, $0x1;
	_ =	strace $0x80000046;
	[dreg:$0x1] =	wrdreg $0xFFFFFFFF  }
0xa8: {  	s28 =	simm.s32 $_size_execute0_lowered;
	s4 =	sadd.s32 s4, s6;
	[dreg:$0x0] =	wrdreg $0x0  }
0xa9: {  	s6 =	sshll.u32 s28, $0x1;
	[dreg:$0x2] =	wrdreg s4  }
0xaa: {  	[dreg:$0x3] =	wrdreg s6  }
0xab: {  	[dreg:$0x4] =	wrdreg $0xC0  }
0xac: {  	_ =	task [dreg:s8], $0x5FFFF  }
0xad: {  	[dreg:$0x1] =	wrdreg $0xFFFFFFFF  }
0xae: {  	[dreg:$0x0] =	wrdreg $0x60  }
0xaf: {  	[dreg:$0x2] =	wrdreg s24  }
0xb0: {  	[dreg:$0x3] =	wrdreg s2  }
0xb1: {  	[dreg:$0x4] =	wrdreg s18  }
0xb2: {  	[dreg:$0x5] =	wrdreg $0x9  }
0xb3: {  	_ =	task.clear_ibuf [dreg:s8], $0x6FFFF;
	_ =	strace $0x90000046  }
0xb4: {  	s29 =	simm.s32 $0x9;
	_ =	strace $0x80000048  }
0xb5: {  	_ =	swait.ge [sflag:s29], $0x1  }
0xb6: {  	[sflag:s29] =	ssyncadd.s32 $0xFFFFFFFF  }
0xb7: {  	_ =	strace $0x90000048  }
0xb8: {  	_ =	sfence  }
0xb9: {  	s30 =	sld [smem:$0x0];
	_ =	sdelay $0x2  }
0xba: {  	s31 =	sshll.u32 s1, $0xD;
	s1 =	sshrl.u32 s1, $0x2  }
0xbb: {  	s3 =	sand.u32 $0x4000, s31;
	s1 =	sadd.s32 s1, s30  }
0xbc: {  	s0 =	sor.u32 s3, s0;
	s1 =	sshll.u32 s1, $0x11  }
0xbd: {  	s0 =	sor.u32 s1, s0  }
0xbe: {  	s0 =	sadd.s32 $0x8F2B, s0  }
0xbf: {  	[sflag:s0] =	ssyncadd.remote.s32 $0x1  }
0xc0: {  	_ =	sfence.sel $0xFFFF  }
0xc1: {  	[dreg:$0x0] =	wrdreg $0xFFFFFFFF;
	(pc) =	sbr.abs _section_cstart, $3  }
0xc2: {  	[dreg:$0x1] =	wrdreg $0xFFFFFFFF  }
0xc3: {  	_ =	task.clear_ibuf [dreg:s8], $0x2FFFF;
	_ =	strace $0x9FFFFFFF  }
0xc4: {  	(tm) =	ssettm $0x7FFFFFFF  }
0xc5: {  	_ =	shalt  }
tec
execute0_lowered:
.L_overlay_start_1:
0x0: {  	(tag) =	ssettag $0x1  }
0x1: {  	s0 =	srdreg.scid  }
0x2: {  	s4 =	stileid.u32;
	s1 =	rddreg [dreg:$0x0]  }
0x3: {  	s5 =	rddreg [dreg:$0x1];
	s3 =	simm.s32 $0x0;
	s16 =	simm.s32 $0x80  }
0x4: {  	s28 =	simm.s32 $0x3;
	s29 =	simm.s32 $0x12400;
	s30 =	simm.s32 $0x4  }
0x5: {  	s31 =	simm.s32 $0x14400;
	s19 =	simm.s32 $0x8;
	s6 =	smul.u32 $0x320000, s4  }
0x6: {  	s15 =	simm.s32 $0xC;
	s0 =	sand.u32 $0x1, s0;
	s7 =	smul.u32 $0xC800, s4  }
0x7: {  	s2 =	sshll.u32 s4, $0x1;
	[smem:$0x7FF] =	sst s3;
	s9 =	smul.u32 $0x6400, s0  }
0x8: {  	s2 =	sor.u32 s0, s2;
	s8 =	ssub.s32 $0x2, s0;
	s0 =	smul.u32 $0x190000, s0  }
0x9: {  	s4 =	sadd.s32 $0xF42C00, s1;
	s2 =	smul.u32 $0x6400, s2;
	s21 =	sshrl.u32 s8, $0x1  }
0xa: {  	_ =	strace $0x80000047;
	s1 =	ssub.s32 s8, s21;
	s7 =	sadd.s32 s9, s7  }
0xb: {  	s0 =	sadd.s32 s0, s6;
	s2 =	sshrl.u32 s2, $0x3;
	s22 =	sshll.u32 s7, $0x3  }
0xc: {  	s1 =	smax.u32 s1, $0x1;
	s23 =	sshrl.u32 s0, $0x3;
	s24 =	sor.u32 $0xE000, s0  }
0xd: {  	s25 =	sor.u32 $0xC000, s0;
	s26 =	sor.u32 $0xA000, s0;
	s0 =	sor.u32 $0x8000, s0  }
0xe: {  	s7 =	simm.s32 $0x0;
	s2 =	sadd.s32 s5, s2;
	[dreg:$0x5] =	wrdreg s1  }
0xf: {  	[dreg:$0x6] =	wrdreg s23;
	s8 =	sor.u32 $0xC00, s22;
	s9 =	sor.u32 $0x800, s22  }
.Ltmp0:
0x10: {  	s10 =	sor.u32 $0x400, s22;
	s11 =	sshrl.u32 s24, $0x3;
	(pc) =	sbr.rel .LBB2_1-.Ltmp0, $4  }
0x11: {  	s12 =	sshrl.u32 s25, $0x3;
	s13 =	sshrl.u32 s26, $0x3;
	s14 =	sshrl.u32 s0, $0x3  }
0x12: {  	s22 =	simm.s32 $0xC400;
	s23 =	simm.s32 $0x1;
	s24 =	simm.s32 $0xE400  }
0x13: {  	s25 =	simm.s32 $0x2;
	s26 =	simm.s32 $0x10400;
	s1 =	simm.s32 $0x5  }
0x14: {  	s0 =	simm.s32 $0x6;
	[dreg:$0x4] =	wrdreg s2;
	s2 =	simm.s32 $0x7  }
.LBB2_4:
0x15: {  	s5 =	simm.s32 $0x9  }
0x16: {  	_ =	swait.ge [sflag:s5], $0x2000  }
0x17: {  	[sflag:s5] =	ssyncset.done $0x0  }
0x18: {  	s6 =	simm.s32 $0xA;
	[sflag:s5] =	ssyncadd.s32 $0xFFFFE000  }
0x19: {  	_ =	swait.ge [sflag:s6], $0x2000  }
0x1a: {  	[sflag:s6] =	ssyncset.done $0x0  }
0x1b: {  	s7 =	simm.s32 $0xB;
	[sflag:s6] =	ssyncadd.s32 $0xFFFFE000  }
0x1c: {  	_ =	swait.ge [sflag:s7], $0x2000  }
0x1d: {  	[sflag:s7] =	ssyncset.done $0x0  }
0x1e: {  	[sflag:s7] =	ssyncadd.s32 $0xFFFFE000  }
0x1f: {  	_ =	swait.ge [sflag:s15], $0x2000  }
0x20: {  	[sflag:s15] =	ssyncset.done $0x0  }
0x21: {  	s17 =	simm.s32 $0xD;
	[sflag:s15] =	ssyncadd.s32 $0xFFFFE000  }
0x22: {  	_ =	swait.ge [sflag:s17], $0x2000  }
0x23: {  	[sflag:s17] =	ssyncset.done $0x0  }
0x24: {  	s18 =	simm.s32 $0xE;
	[sflag:s17] =	ssyncadd.s32 $0xFFFFE000  }
0x25: {  	_ =	swait.ge [sflag:s18], $0x2000  }
0x26: {  	[sflag:s18] =	ssyncset.done $0x0  }
0x27: {  	s20 =	simm.s32 $0xF;
	[sflag:s18] =	ssyncadd.s32 $0xFFFFE000  }
0x28: {  	_ =	swait.ge [sflag:s20], $0x2000  }
0x29: {  	[sflag:s20] =	ssyncset.done $0x0  }
0x2a: {  	s6 =	simm.s32 $0x10;
	[sflag:s20] =	ssyncadd.s32 $0xFFFFE000  }
0x2b: {  	_ =	swait.ge [sflag:s6], $0x2000  }
0x2c: {  	s7 =	rddreg [dreg:$0x7]  }
0x2d: {  	s21 =	rddreg [dreg:$0x5];
	s7 =	sadd.s32 $0x1, s7  }
0x2e: {  	p0 =	sne.s32 s7, s21  }
.Ltmp1:
0x2f: {  	_ = 	snop;
	(pc) =	sbr.rel @!p0 .LBB2_5-.Ltmp1, $3  }
0x30: {  	_ =	sdelay $0x1  }
0x31: {  	[sflag:s6] =	ssyncset.done $0x0  }
0x32: {  	[sflag:s6] =	ssyncadd.s32 $0xFFFFE000  }
.LBB2_1:
0x33: {  	[dreg:$0x7] =	wrdreg s7  }
0x34: {  	s5 =	rddreg [dreg:$0x4];
	s7 =	simm.s32 $0x11  }
0x35: {  	[tilespmem:s3], [sflag:$0x11] =	stream.linear.gather [hbm4b:s5+s3], $0x6400, $0x38;
	[tilespmem:$0x16400] =	vst v63  }
0x36: {  	_ =	swait.ge [sflag:s7], $0x6400  }
0x37: {  	[sflag:s7] =	ssyncset.done $0x0  }
0x38: {  	s17 =	simm.s32 $0x6400;
	[sflag:s7] =	ssyncadd.s32 $0xFFFF9C00  }
0x39: {  	[tilespmem:s17], [sflag:$0x1] =	stream.indirect.gather [hbm4b:s4+s16], $0x40, s3, s16, $0xb8;
	[tilespmem:$0x16400] =	vst v63  }
0x3a: {  	s18 =	simm.s32 $0x8400  }
0x3b: {  	[tilespmem:s18], [sflag:$0x2] =	stream.indirect.gather [hbm4b:s4+s16], $0x40, s16, s16, $0xb8;
	[tilespmem:$0x16400] =	vst v63  }
0x3c: {  	s20 =	simm.s32 $0x100;
	s6 =	simm.s32 $0xA400  }
0x3d: {  	[tilespmem:s6], [sflag:$0x3] =	stream.indirect.gather [hbm4b:s4+s16], $0x40, s20, s16, $0xb8;
	[tilespmem:$0x16400] =	vst v63  }
0x3e: {  	s21 =	simm.s32 $0x180  }
0x3f: {  	[tilespmem:s22], [sflag:$0x4] =	stream.indirect.gather [hbm4b:s4+s16], $0x40, s21, s16, $0xb8;
	[tilespmem:$0x16400] =	vst v63  }
0x40: {  	s6 =	rddreg [dreg:$0x2];
	s21 =	simm.s32 $0x0  }
.LBB2_2:
0x41: {  	_ =	swait.ge [sflag:s23], $0x2000;
	s7 =	simm.s32 $0x6400  }
0x42: {  	p0 =	seq.s32 s21, $0x0;
	[sflag:s23] =	ssyncset.done $0x0;
	s5 =	rddreg [dreg:$0x6]  }
0x43: {  	s17 =	simm.s32 @!p0 $0xD;
	[sflag:s23] =	ssyncadd.s32 $0xFFFFE000;
	s5 =	sadd.s32 s6, s5  }
0x44: {  	[hbm4b:s5+s3] =	stream.linear.scatter [tilespmem:s7], [sflag:$0x9], $0x2000, $0x38;
	[tilespmem:$0x16400] =	vst v63  }
0x45: {  	_ =	swait.ge @!p0 [sflag:s17], $0x2000  }
0x46: {  	s5 =	sshra.s32 s21, $0x2;
	[sflag:s17] =	ssyncset.done @!p0 $0x0  }
0x47: {  	s7 =	sadd.s32 $0x200, s5;
	[sflag:s17] =	ssyncadd.s32 @!p0 $0xFFFFE000  }
0x48: {  	[tilespmem:s24], [sflag:$0x5] =	stream.indirect.gather [hbm4b:s4+s16], $0x40, s7, s16, $0xb8;
	[tilespmem:$0x16400] =	vst v63  }
0x49: {  	_ =	swait.ge [sflag:s25], $0x2000  }
0x4a: {  	s18 =	sadd.s32 s6, s10;
	[sflag:s25] =	ssyncset.done $0x0  }
0x4b: {  	s20 =	simm.s32 $0x8400;
	s17 =	simm.s32 @!p0 $0xE;
	[sflag:s25] =	ssyncadd.s32 $0xFFFFE000  }
0x4c: {  	[hbm4b:s18+s3] =	stream.linear.scatter [tilespmem:s20], [sflag:$0xA], $0x2000, $0x38;
	[tilespmem:$0x16400] =	vst v63  }
0x4d: {  	_ =	swait.ge @!p0 [sflag:s17], $0x2000  }
0x4e: {  	[sflag:s17] =	ssyncset.done @!p0 $0x0  }
0x4f: {  	s7 =	sadd.s32 $0x280, s5;
	[sflag:s17] =	ssyncadd.s32 @!p0 $0xFFFFE000  }
0x50: {  	[tilespmem:s26], [sflag:$0x6] =	stream.indirect.gather [hbm4b:s4+s16], $0x40, s7, s16, $0xb8;
	[tilespmem:$0x16400] =	vst v63  }
0x51: {  	_ =	swait.ge [sflag:s28], $0x2000  }
0x52: {  	s18 =	sadd.s32 s6, s9;
	[sflag:s28] =	ssyncset.done $0x0  }
0x53: {  	s20 =	simm.s32 $0xA400;
	s17 =	simm.s32 @!p0 $0xF;
	[sflag:s28] =	ssyncadd.s32 $0xFFFFE000  }
0x54: {  	[hbm4b:s18+s3] =	stream.linear.scatter [tilespmem:s20], [sflag:$0xB], $0x2000, $0x38;
	[tilespmem:$0x16400] =	vst v63  }
0x55: {  	_ =	swait.ge @!p0 [sflag:s17], $0x2000  }
0x56: {  	[sflag:s17] =	ssyncset.done @!p0 $0x0  }
0x57: {  	s7 =	sadd.s32 $0x300, s5;
	[sflag:s17] =	ssyncadd.s32 @!p0 $0xFFFFE000  }
0x58: {  	[tilespmem:s29], [sflag:$0x7] =	stream.indirect.gather [hbm4b:s4+s16], $0x40, s7, s16, $0xb8;
	[tilespmem:$0x16400] =	vst v63  }
0x59: {  	_ =	swait.ge [sflag:s30], $0x2000  }
0x5a: {  	[sflag:s30] =	ssyncset.done $0x0  }
0x5b: {  	s18 =	sadd.s32 s6, s8;
	s17 =	simm.s32 @!p0 $0x10;
	[sflag:s30] =	ssyncadd.s32 $0xFFFFE000  }
0x5c: {  	[hbm4b:s18+s3] =	stream.linear.scatter [tilespmem:s22], [sflag:$0xC], $0x2000, $0x38;
	[tilespmem:$0x16400] =	vst v63  }
0x5d: {  	_ =	swait.ge @!p0 [sflag:s17], $0x2000  }
0x5e: {  	[sflag:s17] =	ssyncset.done @!p0 $0x0  }
0x5f: {  	s20 =	sadd.s32 $0x380, s5;
	[sflag:s17] =	ssyncadd.s32 @!p0 $0xFFFFE000  }
0x60: {  	[tilespmem:s31], [sflag:$0x8] =	stream.indirect.gather [hbm4b:s4+s16], $0x40, s20, s16, $0xb8;
	[tilespmem:$0x16400] =	vst v63  }
0x61: {  	_ =	swait.ge [sflag:s1], $0x2000  }
0x62: {  	p0 =	seq.s32 s21, $0x18000;
	[sflag:s1] =	ssyncset.done $0x0  }
0x63: {  	s7 =	sadd.s32 s6, s14;
	s17 =	simm.s32 @!p0 $0x9;
	[sflag:s1] =	ssyncadd.s32 $0xFFFFE000  }
0x64: {  	[hbm4b:s7+s3] =	stream.linear.scatter [tilespmem:s24], [sflag:$0xD], $0x2000, $0x38;
	[tilespmem:$0x16400] =	vst v63  }
0x65: {  	_ =	swait.ge @!p0 [sflag:s17], $0x2000  }
0x66: {  	[sflag:s17] =	ssyncset.done @!p0 $0x0  }
0x67: {  	[sflag:s17] =	ssyncadd.s32 @!p0 $0xFFFFE000;
	s17 =	sshra.s32 @!p0 s21, $0x2  }
0x68: {  	s20 =	simm.s32 @!p0 $0x80;
	s7 =	simm.s32 @!p0 $0x6400;
	s18 =	sadd.s32 @!p0 $0x400, s17  }
0x69: {  	[tilespmem:s7], [sflag:$0x1] =	stream.indirect.gather @!p0 [hbm4b:s4+s20], $0x40, s18, s20, $0xb8;
	[tilespmem:$0x16400] =	vst v63  }
0x6a: {  	_ =	swait.ge [sflag:s0], $0x2000  }
0x6b: {  	[sflag:s0] =	ssyncset.done $0x0  }
0x6c: {  	s18 =	sadd.s32 s6, s13;
	s7 =	simm.s32 @!p0 $0xA;
	[sflag:s0] =	ssyncadd.s32 $0xFFFFE000  }
0x6d: {  	[hbm4b:s18+s3] =	stream.linear.scatter [tilespmem:s26], [sflag:$0xE], $0x2000, $0x38;
	[tilespmem:$0x16400] =	vst v63  }
0x6e: {  	_ =	swait.ge @!p0 [sflag:s7], $0x2000  }
0x6f: {  	[sflag:s7] =	ssyncset.done @!p0 $0x0  }
0x70: {  	s18 =	simm.s32 @!p0 $0x8400;
	[sflag:s7] =	ssyncadd.s32 @!p0 $0xFFFFE000;
	s7 =	sadd.s32 @!p0 $0x480, s17  }
0x71: {  	[tilespmem:s18], [sflag:$0x2] =	stream.indirect.gather @!p0 [hbm4b:s4+s20], $0x40, s7, s20, $0xb8;
	[tilespmem:$0x16400] =	vst v63  }
0x72: {  	_ =	swait.ge [sflag:s2], $0x2000  }
0x73: {  	[sflag:s2] =	ssyncset.done $0x0  }
0x74: {  	s18 =	sadd.s32 s6, s12;
	s7 =	simm.s32 @!p0 $0xB;
	[sflag:s2] =	ssyncadd.s32 $0xFFFFE000  }
0x75: {  	[hbm4b:s18+s3] =	stream.linear.scatter [tilespmem:s29], [sflag:$0xF], $0x2000, $0x38;
	[tilespmem:$0x16400] =	vst v63  }
0x76: {  	_ =	swait.ge @!p0 [sflag:s7], $0x2000  }
0x77: {  	[sflag:s7] =	ssyncset.done @!p0 $0x0  }
0x78: {  	[sflag:s7] =	ssyncadd.s32 @!p0 $0xFFFFE000;
	s7 =	sadd.s32 @!p0 $0x500, s17;
	s17 =	simm.s32 @!p0 $0xA400  }
0x79: {  	[tilespmem:s17], [sflag:$0x3] =	stream.indirect.gather @!p0 [hbm4b:s4+s20], $0x40, s7, s20, $0xb8;
	[tilespmem:$0x16400] =	vst v63  }
.Ltmp2:
0x7a: {  	_ = 	snop;
	(pc) =	sbr.rel @p0 .LBB2_4-.Ltmp2, $4  }
0x7b: {  	_ =	swait.ge [sflag:s19], $0x2000  }
0x7c: {  	[sflag:s19] =	ssyncset.done $0x0  }
0x7d: {  	s20 =	sadd.s32 s6, s11;
	[sflag:s19] =	ssyncadd.s32 $0xFFFFE000  }
0x7e: {  	[hbm4b:s20+s3] =	stream.linear.scatter [tilespmem:s31], [sflag:$0x10], $0x2000, $0x38;
	[tilespmem:$0x16400] =	vst v63  }
.Ltmp3:
0x7f: {  	(pc) =	sbr.rel .LBB2_2-.Ltmp3, $4  }
0x80: {  	_ =	swait.ge [sflag:s15], $0x2000  }
0x81: {  	s5 =	sadd.s32 $0x580, s5;
	[sflag:s15] =	ssyncset.done $0x0  }
0x82: {  	s21 =	sadd.s32 $0x1000, s21;
	s6 =	sadd.s32 $0x2000, s6;
	[sflag:s15] =	ssyncadd.s32 $0xFFFFE000  }
0x83: {  	[tilespmem:s22], [sflag:$0x4] =	stream.indirect.gather [hbm4b:s4+s16], $0x40, s5, s16, $0xb8;
	[tilespmem:$0x16400] =	vst v63  }
.LBB2_5:
0x84: {  	_ =	sfence.sel $0x180000  }
0x85: {  	[bflag:$0x0] =	sbarrier.arrive $0xFFFF  }
0x86: {  	_ =	strace $0x90000047  }
0x87: {  	s0 =	stileid.u32;
	[bflag:$0x2] =	sbarrier.arrive $0xFFFF  }
0x88: {  	p0 =	sne.s32 s0, $0x0;
	s0 =	rddreg [dreg:$0x3]  }
0x89: {  	s0 =	sadd.s32 @!p0 $0x100000, s0  }
0x8a: {  	[sflag:s0] =	ssyncadd.tile.s32 @!p0 $0x1;
	_ =	shalt  }
.Lfunc_end2:
_tile_overlayer_lowered:
.L_overlay_start_2:
0x8b: {  	(tag) =	ssettag $0x2  }
0x8c: {  	s0 =	rddreg [dreg:$0x0];
	s2 =	stileid.u32  }
0x8d: {  	s1 =	rddreg [dreg:$0x1];
	p0 =	sne.s32 s2, $0x0  }
0x8e: {  	s3 =	rddreg [dreg:$0x2];
	[bflag:$0x3] =	sbarrier.arrive $0xFFFF;
	s2 =	simm.s32 @!p0 $0x1C11  }
0x8f: {  	[timem:s3], [sflag:s2] =	dma.local @!p0 [hbm:s0], s1  }
0x90: {  	s0 =	simm.s32 @!p0 $0x11  }
0x91: {  	_ =	swait.ge @!p0 [sflag:s0], s1  }
0x92: {  	s1 =	ssub.s32 @!p0 $0x0, s1;
	[sflag:s0] =	ssyncset.done @!p0 $0x0  }
0x93: {  	[sflag:s0] =	ssyncadd.s32 @!p0 s1  }
0x94: {  	[bflag:$0x3] =	sbarrier.arrive $0xFFFF  }
0x95: {  	_ =	shalt  }

// kernel: sparse-core-data-format-call.cloned.1.call-start
scs
called_computation_lowered:
.L_overlay_start_0:
0x0: {  	s2 =	sld [smem:$0x3FD9]  }
0x1: {  	s3 =	sld [smem:$0x3FFE];
	_ =	sdelay $0x1  }
0x2: {  	s1 =	srdreg.scid  }
0x3: {  	s0 =	sand.u32 $0x1, s1  }
0x4: {  	s18 =	sshll.u32 s0, $0xA;
	s2 =	sadd.s32 s3, s2  }
0x5: {  	s2 =	sadd.s32 s2, s18  }
0x6: {  	[smem:$0x3FC6] =	sst s2  }
0x7: {  	_ = 	snop  }
0x8: {  	s2 =	sld [smem:$0x3FD0];
	(tm) =	ssettm $0x1  }
0x9: {  	s19 =	sld [smem:$0x3FFB];
	_ =	sdelay $0x3  }
0xa: {  	_ =	strace s19  }
0xb: {  	s3 =	sld [smem:$0x3FFC];
	_ =	sdelay $0x3  }
0xc: {  	_ =	strace s3  }
0xd: {  	s3 =	sld [smem:$0x3FFD];
	_ =	sdelay $0x3  }
0xe: {  	_ =	strace s3  }
0xf: {  	_ =	strace $0x8FFFFFFF  }
0x10: {  	s20 =	sld [smem:$0x3FDB];
	_ =	sdelay $0x1  }
0x11: {  	s4 =	simm.s32 $_scs_section_size  }
0x12: {  	s5 =	simm.s32 $_size__tile_overlayer_lowered;
	s6 =	simm.s32 $_tile_overlayer_lowered  }
0x13: {  	s23 =	simm.s32 $0x1BFF;
	s22 =	sshll.u32 s6, $0x1;
	s3 =	sadd.s32 s4, s20  }
0x14: {  	s7 =	simm.s32 $0x0;
	s21 =	sshll.u32 s5, $0x1;
	s5 =	sadd.s32 s22, s3  }
0x15: {  	[timem:s7], [sflag:s23] =	dma.local [hbm:s5], s21  }
0x16: {  	_ =	swait.ge [sflag:s23], s21  }
0x17: {  	s4 =	ssub.s32 $0x0, s21;
	[sflag:s23] =	ssyncset.done $0x0  }
0x18: {  	[sflag:s23] =	ssyncadd.s32 s4;
	_ =	sdelay $0x1  }
0x19: {  	s24 =	simm.s32 $0x1B8B  }
0x1a: {  	_ =	swait.ge [sflag:s24], $0x1  }
0x1b: {  	[sflag:s24] =	ssyncset.done $0x0  }
0x1c: {  	s26 =	simm.s32 $0x1B8E;
	s25 =	sld [smem:$0x3FFE];
	[sflag:s24] =	ssyncadd.s32 $0xFFFFFFFF  }
0x1d: {  	s27 =	simm.s32 $execute0_lowered;
	[smem:$0x3FD2] =	sst s26  }
0x1e: {  	s5 =	sshll.u32 s27, $0x1;
	_ =	strace $0x80000049;
	[dreg:$0x1] =	wrdreg $0xFFFFFFFF  }
0x1f: {  	s28 =	simm.s32 $_size_execute0_lowered;
	s3 =	sadd.s32 s3, s5;
	[dreg:$0x0] =	wrdreg $0x0  }
0x20: {  	s5 =	sshll.u32 s28, $0x1;
	[dreg:$0x2] =	wrdreg s3  }
0x21: {  	[dreg:$0x3] =	wrdreg s5  }
0x22: {  	[dreg:$0x4] =	wrdreg $0xC0  }
0x23: {  	_ =	task [dreg:s7], $0x5FFFF  }
0x24: {  	[dreg:$0x1] =	wrdreg $0xFFFFFFFF  }
0x25: {  	[dreg:$0x0] =	wrdreg $0x60  }
0x26: {  	[dreg:$0x2] =	wrdreg s25  }
0x27: {  	[dreg:$0x3] =	wrdreg s2  }
0x28: {  	[dreg:$0x4] =	wrdreg $0x9  }
0x29: {  	_ =	task.clear_ibuf [dreg:s7], $0x5FFFF;
	_ =	strace $0x90000049  }
0x2a: {  	s29 =	simm.s32 $0x9;
	_ =	strace $0x8000004B  }
0x2b: {  	_ =	swait.ge [sflag:s29], $0x1  }
0x2c: {  	[sflag:s29] =	ssyncadd.s32 $0xFFFFFFFF  }
0x2d: {  	_ =	strace $0x9000004B  }
0x2e: {  	_ =	sfence  }
0x2f: {  	s30 =	sld [smem:$0x0];
	_ =	sdelay $0x2  }
0x30: {  	s31 =	sshll.u32 s1, $0xD;
	s1 =	sshrl.u32 s1, $0x2  }
0x31: {  	s3 =	sand.u32 $0x4000, s31;
	s1 =	sadd.s32 s1, s30  }
0x32: {  	s0 =	sor.u32 s3, s0;
	s1 =	sshll.u32 s1, $0x11  }
0x33: {  	s0 =	sor.u32 s1, s0  }
0x34: {  	s0 =	sadd.s32 $0x8F2B, s0  }
0x35: {  	[sflag:s0] =	ssyncadd.remote.s32 $0x1  }
0x36: {  	_ =	sfence.sel $0xFFFF  }
0x37: {  	[dreg:$0x0] =	wrdreg $0xFFFFFFFF;
	(pc) =	sbr.abs _section_cstart, $3  }
0x38: {  	[dreg:$0x1] =	wrdreg $0xFFFFFFFF  }
0x39: {  	_ =	task.clear_ibuf [dreg:s7], $0x2FFFF;
	_ =	strace $0x9FFFFFFF  }
0x3a: {  	(tm) =	ssettm $0x7FFFFFFF  }
0x3b: {  	_ =	shalt  }
tec
execute0_lowered:
.L_overlay_start_1:
0x0: {  	(tag) =	ssettag $0x1  }
0x1: {  	s0 =	srdreg.scid  }
0x2: {  	s1 =	sshll.u32 s0, $0x4  }
0x3: {  	s4 =	rddreg [dreg:$0x0];
	s0 =	stileid.u32;
	s1 =	sand.u32 $0x10, s1  }
0x4: {  	s2 =	rddreg [dreg:$0x1];
	s7 =	simm.s32 $0x1;
	s1 =	sor.u32 s0, s1  }
0x5: {  	s8 =	simm.s32 $0x2;
	s11 =	simm.s32 $0x0;
	s3 =	sshll.u32 s1, $0x7  }
0x6: {  	s10 =	simm.s32 $0x0;
	s4 =	sadd.s32 $0x800, s4;
	s6 =	ssub.s32 $0xC8000, s3  }
.Ltmp0:
0x7: {  	s1 =	rddreg [dreg:$0x2];
	s5 =	sand.u32 $0xF80, s6;
	(pc) =	sbr.rel .LBB1_1-.Ltmp0, $4  }
0x8: {  	_ =	strace $0x8000004A;
	s9 =	smov.u32 s3;
	p0 =	sne.s32 s5, $0x0  }
0x9: {  	s6 =	sshrl.u32 s6, $0xC;
	s5 =	simm.s32 $0x1;
	s7 =	simm.s32 @!p0 $0x0  }
0xa: {  	[sflag:s5] =	ssyncpa.u1 $0x0;
	p0 =	por $0x0, $0x0;
	s6 =	sadd.s32 s7, s6  }
0xb: {  	[sflag:s8] =	ssyncpa.u1 $0x0;
	s8 =	simm.s32 $0x640000;
	s7 =	sadd.s32 $0x1, s6  }
.LBB1_4:
0xc: {  	s14 =	sshll.u32 s11, $0x3  }
0xd: {  	s30 =	sand.u32 $0x7F, s11;
	s15 =	sand.u32 $0xFFFFFC00, s14  }
0xe: {  	s11 =	sor.u32 s30, s15  }
0xf: {  	s15 =	smulhi.u32 $0x51EB851F, s11  }
0x10: {  	s14 =	smulhi.u32 $0x51EB851F, s14  }
0x11: {  	s15 =	sshrl.u32 s15, $0x12  }
0x12: {  	s14 =	sshrl.u32 s14, $0x12;
	s15 =	smul.u32 $0xC8000, s15  }
0x13: {  	s14 =	sand.u32 $0x3F, s14  }
0x14: {  	s14 =	smul.u32 $0x19000, s14;
	s11 =	ssub.s32 s11, s15  }
0x15: {  	[tilespmem:s13+$0x810 ss:$0x81] =	vst.msk $0xffff, v2;
	s15 =	sand.u32 $0x7, s11  }
0x16: {  	[tilespmem:s13+$0x1020 ss:$0x81] =	vst.msk $0xffff, v0;
	s14 =	sadd.s32 s2, s14;
	s11 =	sshrl.u32 s11, $0x3;
	s15 =	sshll.u32 s15, $0x12  }
0x17: {  	[tilespmem:s13+$0x0 ss:$0x81] =	vst.msk $0xffff, v1;
	s11 =	sadd.s32 s11, s14;
	s31 =	sor.u32 $0x400, s15  }
0x18: {  	[hbm4b:s11+s31] =	stream.strided.scatter [tilespmem:s12], [sflag:$0x2], $0x2000, s8, s31, $0x20;
	[tilespmem:$0x8080] =	vst v63  }
.LBB1_5:
0x19: {  	s13 =	sadd.s32 $0x1000, s9  }
0x1a: {  	p2 =	sgt.s32 s13, $0xC7FFF  }
0x1b: {  	s13 =	smov.u32 @p2 s3;
	p2 =	sne.s32 s10, s7  }
.Ltmp1:
0x1c: {  	p1 =	slt.u32 s10, $0x2;
	(pc) =	sbr.rel @!p2 .LBB1_6-.Ltmp1, $4  }
0x1d: {  	s12 =	simm.s32 @!p1 $0x2  }
0x1e: {  	s14 =	sadd.s32 $0x1, s10;
	_ =	swait.ge @!p1 [sflag:s12], $0x2000  }
0x1f: {  	s11 =	smov.u32 s9;
	p0 =	por !p0, !p0;
	[sflag:s12] =	ssyncset.done @!p1 $0x0  }
0x20: {  	s10 =	smov.u32 s14;
	s9 =	smov.u32 s13;
	[sflag:s12] =	ssyncadd.s32 @!p1 $0xFFFFE000  }
.LBB1_1:
0x21: {  	p1 =	sge.u32 s10, s6  }
0x22: {  	s12 =	sand.u32 @!p1 $0x1FFFFFF, s9  }
0x23: {  	s13 =	smulhi.u32 @!p1 $0x147AE15, s12;
	_ =	sdelay $0x1  }
0x24: {  	s13 =	sshrl.u32 @!p1 s13, $0xC  }
0x25: {  	s13 =	smul.u32 @!p1 $0xC8000, s13;
	_ =	sdelay $0x1  }
0x26: {  	s31 =	sadd.s32 $0xFFFFFFFF, s10;
	s14 =	sxor.u32 @!p1 $0xFFFFFFFF, s10;
	s12 =	ssub.s32 @!p1 s12, s13  }
0x27: {  	s15 =	simm.s32 @!p1 $0x80;
	s14 =	sshll.u32 @!p1 s14, $0xD;
	s12 =	sshll.u32 @!p1 s12, $0x4  }
0x28: {  	s13 =	sand.u32 @!p1 $0x2000, s14;
	s14 =	simm.s32 @!p1 $0x40;
	s12 =	sadd.s32 @!p1 s4, s12  }
0x29: {  	[tilespmem:s13], [sflag:$0x1] =	stream.strided.gather @!p1 [hbm4b:s12+s14], $0x2000, s15, s14, $0x38;
	[tilespmem:$0x8080] =	vst v63  }
0x2a: {  	p1 =	sge.u32 s31, s6  }
.Ltmp2:
0x2b: {  	_ = 	snop;
	(pc) =	sbr.rel @p1 .LBB1_5-.Ltmp2, $1  }
0x2c: {  	_ =	sdelay $0x3  }
0x2d: {  	s12 =	simm.s32 $0x1  }
0x2e: {  	_ =	swait.ge [sflag:s5], $0x2000;
	s12 =	simm.s32 @!p0 $0x0  }
0x2f: {  	[sflag:s5] =	ssyncset.done $0x0;
	s13 =	sshll.u32 s12, $0xD  }
0x30: {  	[sflag:s5] =	ssyncadd.s32 $0xFFFFE000;
	s16 =	sor.u32 $0x20, s13  }
0x31: {  	s12 =	smul.u32 $0x8100, s12;
	v3 =	vld [tilespmem:s16+$0x10]  }
0x32: {  	s30 =	sand.u32 $0x1, s10;
	v2 =	vld [tilespmem:s16+$0xFFFFFFF0]  }
0x33: {  	s13 =	smul.u32 $0x8100, s30;
	s12 =	sshrl.u32 s12, $0x2;
	v0 =	vld [tilespmem:s16+$0x0]  }
0x34: {  	v1 =	vld [tilespmem:s16+$0xFFFFFFE0];
	s14 =	sor.u32 $0x4000, s12  }
0x35: {  	s31 =	sshrl.u32 s13, $0x2;
	s13 =	sadd.s32 $0x0, s14  }
0x36: {  	s15 =	simm.s32 $0x4;
	s16 =	sadd.s32 $0x40, s16;
	s12 =	sor.u32 $0x4000, s31;
	[tilespmem:s13+$0x1830 ss:$0x81] =	vst.msk $0xffff, v3  }
.LBB1_3:
0x37: {  	v3 =	vld [tilespmem:s16+$0x10];
	p1 =	sne.s32 s15, $0x1FC;
	[tilespmem:s13+$0x810 ss:$0x81] =	vst.msk $0xffff, v2;
	s17 =	smov.u32 s15;
	s15 =	sadd.s32 $0x4, s15  }
.Ltmp3:
0x38: {  	v2 =	vld [tilespmem:s16+$0xFFFFFFF0];
	[tilespmem:s13+$0x1020 ss:$0x81] =	vst.msk $0xffff, v0;
	(pc) =	sbr.rel @p1 .LBB1_3-.Ltmp3, $4  }
0x39: {  	v0 =	vld [tilespmem:s16+$0x0];
	[tilespmem:s13+$0x0 ss:$0x81] =	vst.msk $0xffff, v1  }
0x3a: {  	s13 =	sshra.s32 s17, $0x2;
	v1 =	vld [tilespmem:s16+$0xFFFFFFE0]  }
0x3b: {  	s13 =	sadd.s32 s13, s14  }
0x3c: {  	s16 =	sadd.s32 $0x40, s16;
	[tilespmem:s13+$0x1830 ss:$0x81] =	vst.msk $0xffff, v3  }
.Ltmp4:
0x3d: {  	_ = 	snop;
	(pc) =	sbr.rel .LBB1_4-.Ltmp4, $1  }
0x3e: {  	_ =	sdelay $0x3  }
.LBB1_6:
0x3f: {  	_ =	sfence.sel $0x180000  }
0x40: {  	s2 =	simm.s32 $0x1;
	[bflag:$0x0] =	sbarrier.arrive $0xFFFF  }
0x41: {  	s31 =	simm.s32 $0x2;
	[sflag:s2] =	ssyncpa.u1 $0x1  }
0x42: {  	[sflag:s31] =	ssyncpa.u1 $0x1  }
0x43: {  	p0 =	sne.s32 s0, $0x0;
	_ =	strace $0x9000004A  }
0x44: {  	s0 =	sadd.s32 @!p0 $0x100000, s1;
	[bflag:$0x2] =	sbarrier.arrive $0xFFFF  }
0x45: {  	[sflag:s0] =	ssyncadd.tile.s32 @!p0 $0x1;
	_ =	shalt  }
.Lfunc_end1:
_tile_overlayer_lowered:
.L_overlay_start_2:
0x46: {  	(tag) =	ssettag $0x2  }
0x47: {  	s0 =	rddreg [dreg:$0x0];
	s2 =	stileid.u32  }
0x48: {  	s1 =	rddreg [dreg:$0x1];
	p0 =	sne.s32 s2, $0x0  }
0x49: {  	s3 =	rddreg [dreg:$0x2];
	[bflag:$0x3] =	sbarrier.arrive $0xFFFF;
	s2 =	simm.s32 @!p0 $0x1C01  }
0x4a: {  	[timem:s3], [sflag:s2] =	dma.local @!p0 [hbm:s0], s1  }
0x4b: {  	s0 =	simm.s32 @!p0 $0x1  }
0x4c: {  	_ =	swait.ge @!p0 [sflag:s0], s1  }
0x4d: {  	s1 =	ssub.s32 @!p0 $0x0, s1;
	[sflag:s0] =	ssyncset.done @!p0 $0x0  }
0x4e: {  	[sflag:s0] =	ssyncadd.s32 @!p0 s1  }
0x4f: {  	[bflag:$0x3] =	sbarrier.arrive $0xFFFF  }
0x50: {  	_ =	shalt  }

</sc_bundles>
